<compile_context>
chip_gen: v7x
topology: tpu7x:2x2x1
jax: 0.10.2.dev20260603
libtpu: 0.0.44.dev20260713+nightly
codegen_flags: <defaults>
</compile_context>

<pallas_src>
import functools

import jax
import jax.numpy as jnp
from jax import lax
from jax.experimental import pallas as pl
from jax.experimental.pallas import tpu as pltpu
from jax.experimental.pallas import tpu_sc as plsc

_VOCAB = 1_000_000
_EMB = 32
_BATCH = 16384
_HIST = 200
_B = _BATCH * _HIST

_NC = 2
_NS = 16
_NW = _NC * _NS

_CHUNK = 800
_QROWS = _CHUNK // 4
_N_CHUNKS = _B // (_CHUNK * _NW)

_NBUF = 3
_GLAG = 2
_NIDX = 6
_NB2 = 4


@functools.partial(
    pl.kernel,
    mesh=plsc.VectorSubcoreMesh(core_axis_name="c", subcore_axis_name="s"),
    out_type=jax.ShapeDtypeStruct((_B // 4, 128), jnp.float32),
    scratch_types=[
        pltpu.VMEM((_NIDX, _CHUNK), jnp.int32),
        pltpu.VMEM((_NBUF, 4, _QROWS, _EMB), jnp.float32),
        pltpu.SemaphoreType.DMA((_NIDX,)),
        pltpu.SemaphoreType.DMA((_NBUF,)),
        pltpu.SemaphoreType.DMA((_NBUF,)),
    ],
    compiler_params=pltpu.CompilerParams(use_tc_tiling_on_sc=False),
)
def _gather_kernel(idx_hbm, table_hbm, y_hbm, idx_v, stage_v,
                   idx_sem, gat_sem, out_sem):
    wid = lax.axis_index("s") * _NC + lax.axis_index("c")

    def chunk_id(i):
        return wid * _N_CHUNKS + i

    def start_idx(i):
        b = lax.rem(i, _NIDX)
        base = pl.multiple_of(chunk_id(i) * _CHUNK, 8)
        pltpu.async_copy(idx_hbm.at[pl.ds(base, _CHUNK)], idx_v.at[b],
                         idx_sem.at[b])

    def wait_idx(i):
        b = lax.rem(i, _NIDX)
        base = pl.multiple_of(chunk_id(i) * _CHUNK, 8)
        pltpu.make_async_copy(idx_hbm.at[pl.ds(base, _CHUNK)],
                              idx_v.at[b], idx_sem.at[b]).wait()

    def gather_parts(i):
        b = lax.rem(i, _NBUF)
        n = lax.rem(i, _NIDX)
        for p in range(4):
            yield (table_hbm.at[idx_v.at[n, pl.ds(p * _QROWS, _QROWS)]],
                   stage_v.at[b, p])

    def start_gather(i):
        b = lax.rem(i, _NBUF)
        for src, dst in gather_parts(i):
            pltpu.async_copy(src, dst, gat_sem.at[b])

    def wait_gather(i):
        b = lax.rem(i, _NBUF)
        for src, dst in gather_parts(i):
            pltpu.make_async_copy(src, dst, gat_sem.at[b]).wait()

    def yout_parts(i):
        b = lax.rem(i, _NBUF)
        qbase = pl.multiple_of(chunk_id(i) * _QROWS, 8)
        for p in range(4):
            yield (stage_v.at[b, p],
                   y_hbm.at[pl.ds(qbase, _QROWS), pl.ds(p * _EMB, _EMB)])

    def start_out(i):
        b = lax.rem(i, _NBUF)
        for src, dst in yout_parts(i):
            pltpu.async_copy(src, dst, out_sem.at[b])

    def wait_out(i):
        b = lax.rem(i, _NBUF)
        for src, dst in yout_parts(i):
            pltpu.make_async_copy(src, dst, out_sem.at[b]).wait()

    for p in range(min(_NIDX, _N_CHUNKS)):
        start_idx(p)

    def body(i, carry):
        @pl.when(i < _N_CHUNKS)
        def _():
            wait_idx(i)

            @pl.when(i >= _NBUF)
            def _():
                wait_out(i - _NBUF)

            start_gather(i)

        j = i - _GLAG

        @pl.when(j >= 0)
        def _():
            wait_gather(j)
            start_out(j)

            @pl.when(j + _NIDX < _N_CHUNKS)
            def _():
                start_idx(j + _NIDX)

        return carry

    lax.fori_loop(0, _N_CHUNKS + _GLAG, body, 0)

    def drain(i, carry):
        wait_out(i)
        return carry

    lax.fori_loop(_N_CHUNKS - _NBUF, _N_CHUNKS, drain, 0)


_S = 16
_GC = _B // (_CHUNK * _S)


def _format_body(y_ref, o_ref):
    y3 = y_ref[...].reshape(_S, _QROWS, 128)
    for p in range(4):
        o_ref[:, p, :, :] = y3[:, :, p * _EMB:(p + 1) * _EMB]


_format_kernel = pl.pallas_call(
    _format_body,
    grid=(_GC,),
    in_specs=[pl.BlockSpec((_QROWS * _S, 128), lambda c: (c, 0))],
    out_specs=pl.BlockSpec((_S, 4, _QROWS, _EMB), lambda c: (c, 0, 0, 0)),
    out_shape=jax.ShapeDtypeStruct((_B // _CHUNK, 4, _QROWS, _EMB),
                                   jnp.float32),
)


def kernel(x, table):
    flat = x.reshape(_B)
    y = _gather_kernel(flat, table)
    return _format_kernel(y).reshape(_BATCH, _HIST, _EMB)

# --- scband reference (transcript-rebuilt; emitter-appended) ---
"""Pipeline reference for scband-pretrained-embedding-19533511262844 (READ-ONLY COPY).

The authoritative reference and input builder live on the scoring server;
editing this copy changes nothing except your own understanding.
"""

import jax, jax.numpy as jnp
import numpy as np

VOCAB = 1000000
EMB = 32
BATCH = 16384
HIST = 200

def setup_inputs(seed: int = 0) -> dict:
    key = jax.random.key(seed)
    k1, k2 = jax.random.split(key)
    x = jax.random.randint(k1, (BATCH, HIST), 0, VOCAB, dtype=jnp.int64 if jax.config.jax_enable_x64 else jnp.int32).astype(jnp.int32)
    table = jax.random.normal(k2, (VOCAB, EMB), dtype=jnp.float32)
    # padding_idx=0 -> row 0 is zeros (nn.Embedding padding semantics)
    table = table.at[0].set(0.0)
    return {"x": x, "table": table}

def reference(x, table):
    # PretrainedEmbedding.forward: self.emb(x) -> pure gather from frozen table
    return jnp.take(table, x, axis=0)

if __name__ == "__main__":
    import jax
    _d = setup_inputs()
    print(jax.jit(kernel)(*tuple(_d.values())))

</pallas_src>

<mosaic_0001>
#map = affine_map<(d0, d1) -> (0)>
#map1 = affine_map<(d0, d1) -> (0, 0)>
module attributes {stable_mosaic.version = 14 : i64} {
  func.func @_gather_kernel(%arg0: i32, %arg1: i32, %arg2: memref<3276800xi32, #tpu.memory_space<hbm>>, %arg3: memref<1000000x32xf32, #tpu.memory_space<hbm>>, %arg4: memref<819200x128xf32, #tpu.memory_space<hbm>>, %arg5: memref<6x800xi32, #tpu.memory_space<vmem>>, %arg6: memref<3x4x200x32xf32, #tpu.memory_space<vmem>>, %arg7: memref<6x!tpu.dma_semaphore, #tpu.memory_space<semaphore_mem>>, %arg8: memref<3x!tpu.dma_semaphore, #tpu.memory_space<semaphore_mem>>, %arg9: memref<3x!tpu.dma_semaphore, #tpu.memory_space<semaphore_mem>>) attributes {dimension_semantics = [#tpu.dimension_semantics<core_parallel>, #tpu.dimension_semantics<subcore_parallel>], iteration_bounds = array<i64: 2, 16>, scalar_prefetch = 0 : i64, scratch_operands = 5 : i64, tpu.core_type = #tpu.core_type<sc_vector_subcore>, window_params = [{transform_indices = #map}, {transform_indices = #map1}, {transform_indices = #map1}]} {
    %mul3A = arith.constant 2 : i32
    %mul3A_0 = arith.muli %arg1, %mul3A : i32
    %add3A = arith.addi %mul3A_0, %arg0 : i32
    %rem3A = arith.constant 0 : i32
    %rem3A_1 = arith.constant 6 : i32
    %rem3A_2 = arith.remsi %rem3A, %rem3A_1 : i32
    %mul3A_3 = arith.constant 128 : i32
    %mul3A_4 = arith.muli %add3A, %mul3A_3 : i32
    %add3A_5 = arith.constant 0 : i32
    %add3A_6 = arith.addi %mul3A_4, %add3A_5 : i32
    %mul3A_7 = arith.constant 800 : i32
    %mul3A_8 = arith.muli %add3A_6, %mul3A_7 : i32
    %multiple_of3A = tpu.assume_multiple %mul3A_8, 8 : i32
    %dma_start3A = arith.constant 0 : i32
    %dma_start3A_9 = tpu.memref_slice %arg5[%rem3A_2, %dma_start3A] : memref<6x800xi32, #tpu.memory_space<vmem>> -> memref<1x800xi32, #tpu.memory_space<vmem>>
    %dma_start3A_10 = tpu.memref_squeeze %dma_start3A_9 : memref<1x800xi32, #tpu.memory_space<vmem>> -> memref<800xi32, #tpu.memory_space<vmem>>
    %dma_start3A_11 = tpu.memref_slice %arg2[%multiple_of3A] : memref<3276800xi32, #tpu.memory_space<hbm>> -> memref<800xi32, #tpu.memory_space<hbm>>
    %dma_start3A_12 = tpu.memref_slice %arg7[%rem3A_2] : memref<6x!tpu.dma_semaphore, #tpu.memory_space<semaphore_mem>> -> memref<1x!tpu.dma_semaphore, #tpu.memory_space<semaphore_mem>>
    %dma_start3A_13 = tpu.memref_squeeze %dma_start3A_12 : memref<1x!tpu.dma_semaphore, #tpu.memory_space<semaphore_mem>> -> memref<!tpu.dma_semaphore, #tpu.memory_space<semaphore_mem>>
    %dma_start3A_14 = arith.constant 0 : i32
    %dma_start3A_15 = tpu.memref_slice %arg5[%rem3A_2, %dma_start3A_14] : memref<6x800xi32, #tpu.memory_space<vmem>> -> memref<1x800xi32, #tpu.memory_space<vmem>>
    %dma_start3A_16 = tpu.memref_squeeze %dma_start3A_15 : memref<1x800xi32, #tpu.memory_space<vmem>> -> memref<800xi32, #tpu.memory_space<vmem>>
    %dma_start3A_17 = tpu.memref_slice %arg2[%multiple_of3A] : memref<3276800xi32, #tpu.memory_space<hbm>> -> memref<800xi32, #tpu.memory_space<hbm>>
    tpu.enqueue_dma source(%dma_start3A_17 : memref<800xi32, #tpu.memory_space<hbm>>) target(%dma_start3A_16 : memref<800xi32, #tpu.memory_space<vmem>>) target_semaphore(%dma_start3A_13 : memref<!tpu.dma_semaphore, #tpu.memory_space<semaphore_mem>>)
    %rem3A_18 = arith.constant 1 : i32
    %rem3A_19 = arith.constant 6 : i32
    %rem3A_20 = arith.remsi %rem3A_18, %rem3A_19 : i32
    %mul3A_21 = arith.constant 128 : i32
    %mul3A_22 = arith.muli %add3A, %mul3A_21 : i32
    %add3A_23 = arith.constant 1 : i32
    %add3A_24 = arith.addi %mul3A_22, %add3A_23 : i32
    %mul3A_25 = arith.constant 800 : i32
    %mul3A_26 = arith.muli %add3A_24, %mul3A_25 : i32
    %multiple_of3A_27 = tpu.assume_multiple %mul3A_26, 8 : i32
    %dma_start3A_28 = arith.constant 0 : i32
    %dma_start3A_29 = tpu.memref_slice %arg5[%rem3A_20, %dma_start3A_28] : memref<6x800xi32, #tpu.memory_space<vmem>> -> memref<1x800xi32, #tpu.memory_space<vmem>>
    %dma_start3A_30 = tpu.memref_squeeze %dma_start3A_29 : memref<1x800xi32, #tpu.memory_space<vmem>> -> memref<800xi32, #tpu.memory_space<vmem>>
    %dma_start3A_31 = tpu.memref_slice %arg2[%multiple_of3A_27] : memref<3276800xi32, #tpu.memory_space<hbm>> -> memref<800xi32, #tpu.memory_space<hbm>>
    %dma_start3A_32 = tpu.memref_slice %arg7[%rem3A_20] : memref<6x!tpu.dma_semaphore, #tpu.memory_space<semaphore_mem>> -> memref<1x!tpu.dma_semaphore, #tpu.memory_space<semaphore_mem>>
    %dma_start3A_33 = tpu.memref_squeeze %dma_start3A_32 : memref<1x!tpu.dma_semaphore, #tpu.memory_space<semaphore_mem>> -> memref<!tpu.dma_semaphore, #tpu.memory_space<semaphore_mem>>
    %dma_start3A_34 = arith.constant 0 : i32
    %dma_start3A_35 = tpu.memref_slice %arg5[%rem3A_20, %dma_start3A_34] : memref<6x800xi32, #tpu.memory_space<vmem>> -> memref<1x800xi32, #tpu.memory_space<vmem>>
    %dma_start3A_36 = tpu.memref_squeeze %dma_start3A_35 : memref<1x800xi32, #tpu.memory_space<vmem>> -> memref<800xi32, #tpu.memory_space<vmem>>
    %dma_start3A_37 = tpu.memref_slice %arg2[%multiple_of3A_27] : memref<3276800xi32, #tpu.memory_space<hbm>> -> memref<800xi32, #tpu.memory_space<hbm>>
    tpu.enqueue_dma source(%dma_start3A_37 : memref<800xi32, #tpu.memory_space<hbm>>) target(%dma_start3A_36 : memref<800xi32, #tpu.memory_space<vmem>>) target_semaphore(%dma_start3A_33 : memref<!tpu.dma_semaphore, #tpu.memory_space<semaphore_mem>>)
    %rem3A_38 = arith.constant 2 : i32
    %rem3A_39 = arith.constant 6 : i32
    %rem3A_40 = arith.remsi %rem3A_38, %rem3A_39 : i32
    %mul3A_41 = arith.constant 128 : i32
    %mul3A_42 = arith.muli %add3A, %mul3A_41 : i32
    %add3A_43 = arith.constant 2 : i32
    %add3A_44 = arith.addi %mul3A_42, %add3A_43 : i32
    %mul3A_45 = arith.constant 800 : i32
    %mul3A_46 = arith.muli %add3A_44, %mul3A_45 : i32
    %multiple_of3A_47 = tpu.assume_multiple %mul3A_46, 8 : i32
    %dma_start3A_48 = arith.constant 0 : i32
    %dma_start3A_49 = tpu.memref_slice %arg5[%rem3A_40, %dma_start3A_48] : memref<6x800xi32, #tpu.memory_space<vmem>> -> memref<1x800xi32, #tpu.memory_space<vmem>>
    %dma_start3A_50 = tpu.memref_squeeze %dma_start3A_49 : memref<1x800xi32, #tpu.memory_space<vmem>> -> memref<800xi32, #tpu.memory_space<vmem>>
    %dma_start3A_51 = tpu.memref_slice %arg2[%multiple_of3A_47] : memref<3276800xi32, #tpu.memory_space<hbm>> -> memref<800xi32, #tpu.memory_space<hbm>>
    %dma_start3A_52 = tpu.memref_slice %arg7[%rem3A_40] : memref<6x!tpu.dma_semaphore, #tpu.memory_space<semaphore_mem>> -> memref<1x!tpu.dma_semaphore, #tpu.memory_space<semaphore_mem>>
    %dma_start3A_53 = tpu.memref_squeeze %dma_start3A_52 : memref<1x!tpu.dma_semaphore, #tpu.memory_space<semaphore_mem>> -> memref<!tpu.dma_semaphore, #tpu.memory_space<semaphore_mem>>
    %dma_start3A_54 = arith.constant 0 : i32
    %dma_start3A_55 = tpu.memref_slice %arg5[%rem3A_40, %dma_start3A_54] : memref<6x800xi32, #tpu.memory_space<vmem>> -> memref<1x800xi32, #tpu.memory_space<vmem>>
    %dma_start3A_56 = tpu.memref_squeeze %dma_start3A_55 : memref<1x800xi32, #tpu.memory_space<vmem>> -> memref<800xi32, #tpu.memory_space<vmem>>
    %dma_start3A_57 = tpu.memref_slice %arg2[%multiple_of3A_47] : memref<3276800xi32, #tpu.memory_space<hbm>> -> memref<800xi32, #tpu.memory_space<hbm>>
    tpu.enqueue_dma source(%dma_start3A_57 : memref<800xi32, #tpu.memory_space<hbm>>) target(%dma_start3A_56 : memref<800xi32, #tpu.memory_space<vmem>>) target_semaphore(%dma_start3A_53 : memref<!tpu.dma_semaphore, #tpu.memory_space<semaphore_mem>>)
    %rem3A_58 = arith.constant 3 : i32
    %rem3A_59 = arith.constant 6 : i32
    %rem3A_60 = arith.remsi %rem3A_58, %rem3A_59 : i32
    %mul3A_61 = arith.constant 128 : i32
    %mul3A_62 = arith.muli %add3A, %mul3A_61 : i32
    %add3A_63 = arith.constant 3 : i32
    %add3A_64 = arith.addi %mul3A_62, %add3A_63 : i32
    %mul3A_65 = arith.constant 800 : i32
    %mul3A_66 = arith.muli %add3A_64, %mul3A_65 : i32
    %multiple_of3A_67 = tpu.assume_multiple %mul3A_66, 8 : i32
    %dma_start3A_68 = arith.constant 0 : i32
    %dma_start3A_69 = tpu.memref_slice %arg5[%rem3A_60, %dma_start3A_68] : memref<6x800xi32, #tpu.memory_space<vmem>> -> memref<1x800xi32, #tpu.memory_space<vmem>>
    %dma_start3A_70 = tpu.memref_squeeze %dma_start3A_69 : memref<1x800xi32, #tpu.memory_space<vmem>> -> memref<800xi32, #tpu.memory_space<vmem>>
    %dma_start3A_71 = tpu.memref_slice %arg2[%multiple_of3A_67] : memref<3276800xi32, #tpu.memory_space<hbm>> -> memref<800xi32, #tpu.memory_space<hbm>>
    %dma_start3A_72 = tpu.memref_slice %arg7[%rem3A_60] : memref<6x!tpu.dma_semaphore, #tpu.memory_space<semaphore_mem>> -> memref<1x!tpu.dma_semaphore, #tpu.memory_space<semaphore_mem>>
    %dma_start3A_73 = tpu.memref_squeeze %dma_start3A_72 : memref<1x!tpu.dma_semaphore, #tpu.memory_space<semaphore_mem>> -> memref<!tpu.dma_semaphore, #tpu.memory_space<semaphore_mem>>
    %dma_start3A_74 = arith.constant 0 : i32
    %dma_start3A_75 = tpu.memref_slice %arg5[%rem3A_60, %dma_start3A_74] : memref<6x800xi32, #tpu.memory_space<vmem>> -> memref<1x800xi32, #tpu.memory_space<vmem>>
    %dma_start3A_76 = tpu.memref_squeeze %dma_start3A_75 : memref<1x800xi32, #tpu.memory_space<vmem>> -> memref<800xi32, #tpu.memory_space<vmem>>
    %dma_start3A_77 = tpu.memref_slice %arg2[%multiple_of3A_67] : memref<3276800xi32, #tpu.memory_space<hbm>> -> memref<800xi32, #tpu.memory_space<hbm>>
    tpu.enqueue_dma source(%dma_start3A_77 : memref<800xi32, #tpu.memory_space<hbm>>) target(%dma_start3A_76 : memref<800xi32, #tpu.memory_space<vmem>>) target_semaphore(%dma_start3A_73 : memref<!tpu.dma_semaphore, #tpu.memory_space<semaphore_mem>>)
    %rem3A_78 = arith.constant 4 : i32
    %rem3A_79 = arith.constant 6 : i32
    %rem3A_80 = arith.remsi %rem3A_78, %rem3A_79 : i32
    %mul3A_81 = arith.constant 128 : i32
    %mul3A_82 = arith.muli %add3A, %mul3A_81 : i32
    %add3A_83 = arith.constant 4 : i32
    %add3A_84 = arith.addi %mul3A_82, %add3A_83 : i32
    %mul3A_85 = arith.constant 800 : i32
    %mul3A_86 = arith.muli %add3A_84, %mul3A_85 : i32
    %multiple_of3A_87 = tpu.assume_multiple %mul3A_86, 8 : i32
    %dma_start3A_88 = arith.constant 0 : i32
    %dma_start3A_89 = tpu.memref_slice %arg5[%rem3A_80, %dma_start3A_88] : memref<6x800xi32, #tpu.memory_space<vmem>> -> memref<1x800xi32, #tpu.memory_space<vmem>>
    %dma_start3A_90 = tpu.memref_squeeze %dma_start3A_89 : memref<1x800xi32, #tpu.memory_space<vmem>> -> memref<800xi32, #tpu.memory_space<vmem>>
    %dma_start3A_91 = tpu.memref_slice %arg2[%multiple_of3A_87] : memref<3276800xi32, #tpu.memory_space<hbm>> -> memref<800xi32, #tpu.memory_space<hbm>>
    %dma_start3A_92 = tpu.memref_slice %arg7[%rem3A_80] : memref<6x!tpu.dma_semaphore, #tpu.memory_space<semaphore_mem>> -> memref<1x!tpu.dma_semaphore, #tpu.memory_space<semaphore_mem>>
    %dma_start3A_93 = tpu.memref_squeeze %dma_start3A_92 : memref<1x!tpu.dma_semaphore, #tpu.memory_space<semaphore_mem>> -> memref<!tpu.dma_semaphore, #tpu.memory_space<semaphore_mem>>
    %dma_start3A_94 = arith.constant 0 : i32
    %dma_start3A_95 = tpu.memref_slice %arg5[%rem3A_80, %dma_start3A_94] : memref<6x800xi32, #tpu.memory_space<vmem>> -> memref<1x800xi32, #tpu.memory_space<vmem>>
    %dma_start3A_96 = tpu.memref_squeeze %dma_start3A_95 : memref<1x800xi32, #tpu.memory_space<vmem>> -> memref<800xi32, #tpu.memory_space<vmem>>
    %dma_start3A_97 = tpu.memref_slice %arg2[%multiple_of3A_87] : memref<3276800xi32, #tpu.memory_space<hbm>> -> memref<800xi32, #tpu.memory_space<hbm>>
    tpu.enqueue_dma source(%dma_start3A_97 : memref<800xi32, #tpu.memory_space<hbm>>) target(%dma_start3A_96 : memref<800xi32, #tpu.memory_space<vmem>>) target_semaphore(%dma_start3A_93 : memref<!tpu.dma_semaphore, #tpu.memory_space<semaphore_mem>>)
    %rem3A_98 = arith.constant 5 : i32
    %rem3A_99 = arith.constant 6 : i32
    %rem3A_100 = arith.remsi %rem3A_98, %rem3A_99 : i32
    %mul3A_101 = arith.constant 128 : i32
    %mul3A_102 = arith.muli %add3A, %mul3A_101 : i32
    %add3A_103 = arith.constant 5 : i32
    %add3A_104 = arith.addi %mul3A_102, %add3A_103 : i32
    %mul3A_105 = arith.constant 800 : i32
    %mul3A_106 = arith.muli %add3A_104, %mul3A_105 : i32
    %multiple_of3A_107 = tpu.assume_multiple %mul3A_106, 8 : i32
    %dma_start3A_108 = arith.constant 0 : i32
    %dma_start3A_109 = tpu.memref_slice %arg5[%rem3A_100, %dma_start3A_108] : memref<6x800xi32, #tpu.memory_space<vmem>> -> memref<1x800xi32, #tpu.memory_space<vmem>>
    %dma_start3A_110 = tpu.memref_squeeze %dma_start3A_109 : memref<1x800xi32, #tpu.memory_space<vmem>> -> memref<800xi32, #tpu.memory_space<vmem>>
    %dma_start3A_111 = tpu.memref_slice %arg2[%multiple_of3A_107] : memref<3276800xi32, #tpu.memory_space<hbm>> -> memref<800xi32, #tpu.memory_space<hbm>>
    %dma_start3A_112 = tpu.memref_slice %arg7[%rem3A_100] : memref<6x!tpu.dma_semaphore, #tpu.memory_space<semaphore_mem>> -> memref<1x!tpu.dma_semaphore, #tpu.memory_space<semaphore_mem>>
    %dma_start3A_113 = tpu.memref_squeeze %dma_start3A_112 : memref<1x!tpu.dma_semaphore, #tpu.memory_space<semaphore_mem>> -> memref<!tpu.dma_semaphore, #tpu.memory_space<semaphore_mem>>
    %dma_start3A_114 = arith.constant 0 : i32
    %dma_start3A_115 = tpu.memref_slice %arg5[%rem3A_100, %dma_start3A_114] : memref<6x800xi32, #tpu.memory_space<vmem>> -> memref<1x800xi32, #tpu.memory_space<vmem>>
    %dma_start3A_116 = tpu.memref_squeeze %dma_start3A_115 : memref<1x800xi32, #tpu.memory_space<vmem>> -> memref<800xi32, #tpu.memory_space<vmem>>
    %dma_start3A_117 = tpu.memref_slice %arg2[%multiple_of3A_107] : memref<3276800xi32, #tpu.memory_space<hbm>> -> memref<800xi32, #tpu.memory_space<hbm>>
    tpu.enqueue_dma source(%dma_start3A_117 : memref<800xi32, #tpu.memory_space<hbm>>) target(%dma_start3A_116 : memref<800xi32, #tpu.memory_space<vmem>>) target_semaphore(%dma_start3A_113 : memref<!tpu.dma_semaphore, #tpu.memory_space<semaphore_mem>>)
    %scan3A = arith.constant 0 : i32
    %scan3A_118 = arith.constant 0 : i32
    %scan3A_119 = arith.constant 130 : i32
    %scan3A_120 = arith.addi %scan3A_118, %scan3A_119 : i32
    %scan3A_121 = arith.constant 1 : i32
    scf.for %scan3A_129 = %scan3A_118 to %scan3A_120 step %scan3A_121  : i32 {
      %lt3A = arith.constant 128 : i32
      %lt3A_130 = arith.cmpi slt, %scan3A_129, %lt3A : i32
      %convert_element_type3A = arith.extui %lt3A_130 : i1 to i32
      %cond3A = arith.constant 0 : i32
      %cond3A_131 = arith.cmpi ne, %convert_element_type3A, %cond3A : i32
      scf.if %cond3A_131 {
        %rem3A_137 = arith.constant 6 : i32
        %rem3A_138 = arith.remsi %scan3A_129, %rem3A_137 : i32
        %mul3A_139 = arith.constant 128 : i32
        %mul3A_140 = arith.muli %add3A, %mul3A_139 : i32
        %add3A_141 = arith.addi %mul3A_140, %scan3A_129 : i32
        %mul3A_142 = arith.constant 800 : i32
        %mul3A_143 = arith.muli %add3A_141, %mul3A_142 : i32
        %multiple_of3A_144 = tpu.assume_multiple %mul3A_143, 8 : i32
        %dma_wait3A = arith.constant 0 : i32
        %dma_wait3A_145 = tpu.memref_slice %arg5[%rem3A_138, %dma_wait3A] : memref<6x800xi32, #tpu.memory_space<vmem>> -> memref<1x800xi32, #tpu.memory_space<vmem>>
        %dma_wait3A_146 = tpu.memref_squeeze %dma_wait3A_145 : memref<1x800xi32, #tpu.memory_space<vmem>> -> memref<800xi32, #tpu.memory_space<vmem>>
        %dma_wait3A_147 = tpu.memref_slice %arg2[%multiple_of3A_144] : memref<3276800xi32, #tpu.memory_space<hbm>> -> memref<800xi32, #tpu.memory_space<hbm>>
        %dma_wait3A_148 = tpu.memref_slice %arg7[%rem3A_138] : memref<6x!tpu.dma_semaphore, #tpu.memory_space<semaphore_mem>> -> memref<1x!tpu.dma_semaphore, #tpu.memory_space<semaphore_mem>>
        %dma_wait3A_149 = tpu.memref_squeeze %dma_wait3A_148 : memref<1x!tpu.dma_semaphore, #tpu.memory_space<semaphore_mem>> -> memref<!tpu.dma_semaphore, #tpu.memory_space<semaphore_mem>>
        %dma_wait3A_150 = arith.constant 0 : i32
        %dma_wait3A_151 = tpu.memref_slice %arg5[%rem3A_138, %dma_wait3A_150] : memref<6x800xi32, #tpu.memory_space<vmem>> -> memref<1x800xi32, #tpu.memory_space<vmem>>
        %dma_wait3A_152 = tpu.memref_squeeze %dma_wait3A_151 : memref<1x800xi32, #tpu.memory_space<vmem>> -> memref<800xi32, #tpu.memory_space<vmem>>
        %dma_wait3A_153 = tpu.memref_slice %arg2[%multiple_of3A_144] : memref<3276800xi32, #tpu.memory_space<hbm>> -> memref<800xi32, #tpu.memory_space<hbm>>
        tpu.wait_dma2 semaphore(%dma_wait3A_149 : memref<!tpu.dma_semaphore, #tpu.memory_space<semaphore_mem>>) src(%dma_wait3A_153 : memref<800xi32, #tpu.memory_space<hbm>>) dst(%dma_wait3A_152 : memref<800xi32, #tpu.memory_space<vmem>>)
        %ge3A_154 = arith.constant 3 : i32
        %ge3A_155 = arith.cmpi sge, %scan3A_129, %ge3A_154 : i32
        %convert_element_type3A_156 = arith.extui %ge3A_155 : i1 to i32
        %cond3A_157 = arith.constant 0 : i32
        %cond3A_158 = arith.cmpi ne, %convert_element_type3A_156, %cond3A_157 : i32
        scf.if %cond3A_158 {
          %sub3A_217 = arith.constant 3 : i32
          %sub3A_218 = arith.subi %scan3A_129, %sub3A_217 : i32
          %rem3A_219 = arith.constant 3 : i32
          %rem3A_220 = arith.remsi %sub3A_218, %rem3A_219 : i32
          %rem3A_221 = arith.constant 3 : i32
          %rem3A_222 = arith.remsi %sub3A_218, %rem3A_221 : i32
          %mul3A_223 = arith.constant 128 : i32
          %mul3A_224 = arith.muli %add3A, %mul3A_223 : i32
          %add3A_225 = arith.addi %mul3A_224, %sub3A_218 : i32
          %mul3A_226 = arith.constant 200 : i32
          %mul3A_227 = arith.muli %add3A_225, %mul3A_226 : i32
          %multiple_of3A_228 = tpu.assume_multiple %mul3A_227, 8 : i32
          %dma_wait3A_229 = arith.constant 0 : i32
          %dma_wait3A_230 = arith.constant 0 : i32
          %dma_wait3A_231 = arith.constant 0 : i32
          %dma_wait3A_232 = tpu.memref_slice %arg6[%rem3A_222, %dma_wait3A_229, %dma_wait3A_230, %dma_wait3A_231] : memref<3x4x200x32xf32, #tpu.memory_space<vmem>> -> memref<1x1x200x32xf32, #tpu.memory_space<vmem>>
          %dma_wait3A_233 = tpu.memref_squeeze %dma_wait3A_232 : memref<1x1x200x32xf32, #tpu.memory_space<vmem>> -> memref<200x32xf32, #tpu.memory_space<vmem>>
          %dma_wait3A_234 = arith.constant 0 : i32
          %dma_wait3A_235 = tpu.memref_slice %arg4[%multiple_of3A_228, %dma_wait3A_234] : memref<819200x128xf32, #tpu.memory_space<hbm>> -> memref<200x32xf32, #tpu.memory_space<hbm>>
          %dma_wait3A_236 = tpu.memref_slice %arg9[%rem3A_220] : memref<3x!tpu.dma_semaphore, #tpu.memory_space<semaphore_mem>> -> memref<1x!tpu.dma_semaphore, #tpu.memory_space<semaphore_mem>>
          %dma_wait3A_237 = tpu.memref_squeeze %dma_wait3A_236 : memref<1x!tpu.dma_semaphore, #tpu.memory_space<semaphore_mem>> -> memref<!tpu.dma_semaphore, #tpu.memory_space<semaphore_mem>>
          %dma_wait3A_238 = arith.constant 0 : i32
          %dma_wait3A_239 = tpu.memref_slice %arg4[%multiple_of3A_228, %dma_wait3A_238] : memref<819200x128xf32, #tpu.memory_space<hbm>> -> memref<200x32xf32, #tpu.memory_space<hbm>>
          %dma_wait3A_240 = arith.constant 0 : i32
          %dma_wait3A_241 = arith.constant 0 : i32
          %dma_wait3A_242 = tpu.memref_slice %arg6[%rem3A_222, %dma_wait3A_229, %dma_wait3A_240, %dma_wait3A_241] : memref<3x4x200x32xf32, #tpu.memory_space<vmem>> -> memref<1x1x200x32xf32, #tpu.memory_space<vmem>>
          %dma_wait3A_243 = tpu.memref_squeeze %dma_wait3A_242 : memref<1x1x200x32xf32, #tpu.memory_space<vmem>> -> memref<200x32xf32, #tpu.memory_space<vmem>>
          tpu.wait_dma2 semaphore(%dma_wait3A_237 : memref<!tpu.dma_semaphore, #tpu.memory_space<semaphore_mem>>) src(%dma_wait3A_243 : memref<200x32xf32, #tpu.memory_space<vmem>>) dst(%dma_wait3A_239 : memref<200x32xf32, #tpu.memory_space<hbm>>)
          %dma_wait3A_244 = arith.constant 1 : i32
          %dma_wait3A_245 = arith.constant 0 : i32
          %dma_wait3A_246 = arith.constant 0 : i32
          %dma_wait3A_247 = tpu.memref_slice %arg6[%rem3A_222, %dma_wait3A_244, %dma_wait3A_245, %dma_wait3A_246] : memref<3x4x200x32xf32, #tpu.memory_space<vmem>> -> memref<1x1x200x32xf32, #tpu.memory_space<vmem>>
          %dma_wait3A_248 = tpu.memref_squeeze %dma_wait3A_247 : memref<1x1x200x32xf32, #tpu.memory_space<vmem>> -> memref<200x32xf32, #tpu.memory_space<vmem>>
          %dma_wait3A_249 = arith.constant 32 : i32
          %dma_wait3A_250 = tpu.memref_slice %arg4[%multiple_of3A_228, %dma_wait3A_249] : memref<819200x128xf32, #tpu.memory_space<hbm>> -> memref<200x32xf32, #tpu.memory_space<hbm>>
          %dma_wait3A_251 = tpu.memref_slice %arg9[%rem3A_220] : memref<3x!tpu.dma_semaphore, #tpu.memory_space<semaphore_mem>> -> memref<1x!tpu.dma_semaphore, #tpu.memory_space<semaphore_mem>>
          %dma_wait3A_252 = tpu.memref_squeeze %dma_wait3A_251 : memref<1x!tpu.dma_semaphore, #tpu.memory_space<semaphore_mem>> -> memref<!tpu.dma_semaphore, #tpu.memory_space<semaphore_mem>>
          %dma_wait3A_253 = arith.constant 32 : i32
          %dma_wait3A_254 = tpu.memref_slice %arg4[%multiple_of3A_228, %dma_wait3A_253] : memref<819200x128xf32, #tpu.memory_space<hbm>> -> memref<200x32xf32, #tpu.memory_space<hbm>>
          %dma_wait3A_255 = arith.constant 0 : i32
          %dma_wait3A_256 = arith.constant 0 : i32
          %dma_wait3A_257 = tpu.memref_slice %arg6[%rem3A_222, %dma_wait3A_244, %dma_wait3A_255, %dma_wait3A_256] : memref<3x4x200x32xf32, #tpu.memory_space<vmem>> -> memref<1x1x200x32xf32, #tpu.memory_space<vmem>>
          %dma_wait3A_258 = tpu.memref_squeeze %dma_wait3A_257 : memref<1x1x200x32xf32, #tpu.memory_space<vmem>> -> memref<200x32xf32, #tpu.memory_space<vmem>>
          tpu.wait_dma2 semaphore(%dma_wait3A_252 : memref<!tpu.dma_semaphore, #tpu.memory_space<semaphore_mem>>) src(%dma_wait3A_258 : memref<200x32xf32, #tpu.memory_space<vmem>>) dst(%dma_wait3A_254 : memref<200x32xf32, #tpu.memory_space<hbm>>)
          %dma_wait3A_259 = arith.constant 2 : i32
          %dma_wait3A_260 = arith.constant 0 : i32
          %dma_wait3A_261 = arith.constant 0 : i32
          %dma_wait3A_262 = tpu.memref_slice %arg6[%rem3A_222, %dma_wait3A_259, %dma_wait3A_260, %dma_wait3A_261] : memref<3x4x200x32xf32, #tpu.memory_space<vmem>> -> memref<1x1x200x32xf32, #tpu.memory_space<vmem>>
          %dma_wait3A_263 = tpu.memref_squeeze %dma_wait3A_262 : memref<1x1x200x32xf32, #tpu.memory_space<vmem>> -> memref<200x32xf32, #tpu.memory_space<vmem>>
          %dma_wait3A_264 = arith.constant 64 : i32
          %dma_wait3A_265 = tpu.memref_slice %arg4[%multiple_of3A_228, %dma_wait3A_264] : memref<819200x128xf32, #tpu.memory_space<hbm>> -> memref<200x32xf32, #tpu.memory_space<hbm>>
          %dma_wait3A_266 = tpu.memref_slice %arg9[%rem3A_220] : memref<3x!tpu.dma_semaphore, #tpu.memory_space<semaphore_mem>> -> memref<1x!tpu.dma_semaphore, #tpu.memory_space<semaphore_mem>>
          %dma_wait3A_267 = tpu.memref_squeeze %dma_wait3A_266 : memref<1x!tpu.dma_semaphore, #tpu.memory_space<semaphore_mem>> -> memref<!tpu.dma_semaphore, #tpu.memory_space<semaphore_mem>>
          %dma_wait3A_268 = arith.constant 64 : i32
          %dma_wait3A_269 = tpu.memref_slice %arg4[%multiple_of3A_228, %dma_wait3A_268] : memref<819200x128xf32, #tpu.memory_space<hbm>> -> memref<200x32xf32, #tpu.memory_space<hbm>>
          %dma_wait3A_270 = arith.constant 0 : i32
          %dma_wait3A_271 = arith.constant 0 : i32
          %dma_wait3A_272 = tpu.memref_slice %arg6[%rem3A_222, %dma_wait3A_259, %dma_wait3A_270, %dma_wait3A_271] : memref<3x4x200x32xf32, #tpu.memory_space<vmem>> -> memref<1x1x200x32xf32, #tpu.memory_space<vmem>>
          %dma_wait3A_273 = tpu.memref_squeeze %dma_wait3A_272 : memref<1x1x200x32xf32, #tpu.memory_space<vmem>> -> memref<200x32xf32, #tpu.memory_space<vmem>>
          tpu.wait_dma2 semaphore(%dma_wait3A_267 : memref<!tpu.dma_semaphore, #tpu.memory_space<semaphore_mem>>) src(%dma_wait3A_273 : memref<200x32xf32, #tpu.memory_space<vmem>>) dst(%dma_wait3A_269 : memref<200x32xf32, #tpu.memory_space<hbm>>)
          %dma_wait3A_274 = arith.constant 3 : i32
          %dma_wait3A_275 = arith.constant 0 : i32
          %dma_wait3A_276 = arith.constant 0 : i32
          %dma_wait3A_277 = tpu.memref_slice %arg6[%rem3A_222, %dma_wait3A_274, %dma_wait3A_275, %dma_wait3A_276] : memref<3x4x200x32xf32, #tpu.memory_space<vmem>> -> memref<1x1x200x32xf32, #tpu.memory_space<vmem>>
          %dma_wait3A_278 = tpu.memref_squeeze %dma_wait3A_277 : memref<1x1x200x32xf32, #tpu.memory_space<vmem>> -> memref<200x32xf32, #tpu.memory_space<vmem>>
          %dma_wait3A_279 = arith.constant 96 : i32
          %dma_wait3A_280 = tpu.memref_slice %arg4[%multiple_of3A_228, %dma_wait3A_279] : memref<819200x128xf32, #tpu.memory_space<hbm>> -> memref<200x32xf32, #tpu.memory_space<hbm>>
          %dma_wait3A_281 = tpu.memref_slice %arg9[%rem3A_220] : memref<3x!tpu.dma_semaphore, #tpu.memory_space<semaphore_mem>> -> memref<1x!tpu.dma_semaphore, #tpu.memory_space<semaphore_mem>>
          %dma_wait3A_282 = tpu.memref_squeeze %dma_wait3A_281 : memref<1x!tpu.dma_semaphore, #tpu.memory_space<semaphore_mem>> -> memref<!tpu.dma_semaphore, #tpu.memory_space<semaphore_mem>>
          %dma_wait3A_283 = arith.constant 96 : i32
          %dma_wait3A_284 = tpu.memref_slice %arg4[%multiple_of3A_228, %dma_wait3A_283] : memref<819200x128xf32, #tpu.memory_space<hbm>> -> memref<200x32xf32, #tpu.memory_space<hbm>>
          %dma_wait3A_285 = arith.constant 0 : i32
          %dma_wait3A_286 = arith.constant 0 : i32
          %dma_wait3A_287 = tpu.memref_slice %arg6[%rem3A_222, %dma_wait3A_274, %dma_wait3A_285, %dma_wait3A_286] : memref<3x4x200x32xf32, #tpu.memory_space<vmem>> -> memref<1x1x200x32xf32, #tpu.memory_space<vmem>>
          %dma_wait3A_288 = tpu.memref_squeeze %dma_wait3A_287 : memref<1x1x200x32xf32, #tpu.memory_space<vmem>> -> memref<200x32xf32, #tpu.memory_space<vmem>>
          tpu.wait_dma2 semaphore(%dma_wait3A_282 : memref<!tpu.dma_semaphore, #tpu.memory_space<semaphore_mem>>) src(%dma_wait3A_288 : memref<200x32xf32, #tpu.memory_space<vmem>>) dst(%dma_wait3A_284 : memref<200x32xf32, #tpu.memory_space<hbm>>)
        } else {
        }
        %rem3A_159 = arith.constant 3 : i32
        %rem3A_160 = arith.remsi %scan3A_129, %rem3A_159 : i32
        %rem3A_161 = arith.constant 3 : i32
        %rem3A_162 = arith.remsi %scan3A_129, %rem3A_161 : i32
        %rem3A_163 = arith.constant 6 : i32
        %rem3A_164 = arith.remsi %scan3A_129, %rem3A_163 : i32
        %dma_start3A_165 = arith.constant 0 : i32
        %dma_start3A_166 = arith.constant 0 : i32
        %dma_start3A_167 = arith.constant 0 : i32
        %dma_start3A_168 = tpu.memref_slice %arg6[%rem3A_162, %dma_start3A_165, %dma_start3A_166, %dma_start3A_167] : memref<3x4x200x32xf32, #tpu.memory_space<vmem>> -> memref<1x1x200x32xf32, #tpu.memory_space<vmem>>
        %dma_start3A_169 = tpu.memref_squeeze %dma_start3A_168 : memref<1x1x200x32xf32, #tpu.memory_space<vmem>> -> memref<200x32xf32, #tpu.memory_space<vmem>>
        %dma_start3A_170 = arith.constant 0 : i32
        %dma_start3A_171 = tpu.memref_slice %arg5[%rem3A_164, %dma_start3A_170] : memref<6x800xi32, #tpu.memory_space<vmem>> -> memref<1x200xi32, #tpu.memory_space<vmem>>
        %dma_start3A_172 = tpu.memref_squeeze %dma_start3A_171 : memref<1x200xi32, #tpu.memory_space<vmem>> -> memref<200xi32, #tpu.memory_space<vmem>>
        %dma_start3A_173 = arith.constant 0 : i32
        %dma_start3A_174 = arith.constant 0 : i32
        %dma_start3A_175 = tpu.memref_slice %arg3[%dma_start3A_173, %dma_start3A_174] : memref<1000000x32xf32, #tpu.memory_space<hbm>> -> memref<1000000x32xf32, #tpu.memory_space<hbm>>
        %dma_start3A_176 = tpu.memref_slice %arg8[%rem3A_160] : memref<3x!tpu.dma_semaphore, #tpu.memory_space<semaphore_mem>> -> memref<1x!tpu.dma_semaphore, #tpu.memory_space<semaphore_mem>>
        %dma_start3A_177 = tpu.memref_squeeze %dma_start3A_176 : memref<1x!tpu.dma_semaphore, #tpu.memory_space<semaphore_mem>> -> memref<!tpu.dma_semaphore, #tpu.memory_space<semaphore_mem>>
        tpu.enqueue_indirect_dma source(%dma_start3A_175 : memref<1000000x32xf32, #tpu.memory_space<hbm>>) target(%dma_start3A_169 : memref<200x32xf32, #tpu.memory_space<vmem>>) offsets(%dma_start3A_172 : memref<200xi32, #tpu.memory_space<vmem>>) semaphore(%dma_start3A_177 : memref<!tpu.dma_semaphore, #tpu.memory_space<semaphore_mem>>)
        %dma_start3A_178 = arith.constant 1 : i32
        %dma_start3A_179 = arith.constant 0 : i32
        %dma_start3A_180 = arith.constant 0 : i32
        %dma_start3A_181 = tpu.memref_slice %arg6[%rem3A_162, %dma_start3A_178, %dma_start3A_179, %dma_start3A_180] : memref<3x4x200x32xf32, #tpu.memory_space<vmem>> -> memref<1x1x200x32xf32, #tpu.memory_space<vmem>>
        %dma_start3A_182 = tpu.memref_squeeze %dma_start3A_181 : memref<1x1x200x32xf32, #tpu.memory_space<vmem>> -> memref<200x32xf32, #tpu.memory_space<vmem>>
        %dma_start3A_183 = arith.constant 200 : i32
        %dma_start3A_184 = tpu.memref_slice %arg5[%rem3A_164, %dma_start3A_183] : memref<6x800xi32, #tpu.memory_space<vmem>> -> memref<1x200xi32, #tpu.memory_space<vmem>>
        %dma_start3A_185 = tpu.memref_squeeze %dma_start3A_184 : memref<1x200xi32, #tpu.memory_space<vmem>> -> memref<200xi32, #tpu.memory_space<vmem>>
        %dma_start3A_186 = arith.constant 0 : i32
        %dma_start3A_187 = arith.constant 0 : i32
        %dma_start3A_188 = tpu.memref_slice %arg3[%dma_start3A_186, %dma_start3A_187] : memref<1000000x32xf32, #tpu.memory_space<hbm>> -> memref<1000000x32xf32, #tpu.memory_space<hbm>>
        %dma_start3A_189 = tpu.memref_slice %arg8[%rem3A_160] : memref<3x!tpu.dma_semaphore, #tpu.memory_space<semaphore_mem>> -> memref<1x!tpu.dma_semaphore, #tpu.memory_space<semaphore_mem>>
        %dma_start3A_190 = tpu.memref_squeeze %dma_start3A_189 : memref<1x!tpu.dma_semaphore, #tpu.memory_space<semaphore_mem>> -> memref<!tpu.dma_semaphore, #tpu.memory_space<semaphore_mem>>
        tpu.enqueue_indirect_dma source(%dma_start3A_188 : memref<1000000x32xf32, #tpu.memory_space<hbm>>) target(%dma_start3A_182 : memref<200x32xf32, #tpu.memory_space<vmem>>) offsets(%dma_start3A_185 : memref<200xi32, #tpu.memory_space<vmem>>) semaphore(%dma_start3A_190 : memref<!tpu.dma_semaphore, #tpu.memory_space<semaphore_mem>>)
        %dma_start3A_191 = arith.constant 2 : i32
        %dma_start3A_192 = arith.constant 0 : i32
        %dma_start3A_193 = arith.constant 0 : i32
        %dma_start3A_194 = tpu.memref_slice %arg6[%rem3A_162, %dma_start3A_191, %dma_start3A_192, %dma_start3A_193] : memref<3x4x200x32xf32, #tpu.memory_space<vmem>> -> memref<1x1x200x32xf32, #tpu.memory_space<vmem>>
        %dma_start3A_195 = tpu.memref_squeeze %dma_start3A_194 : memref<1x1x200x32xf32, #tpu.memory_space<vmem>> -> memref<200x32xf32, #tpu.memory_space<vmem>>
        %dma_start3A_196 = arith.constant 400 : i32
        %dma_start3A_197 = tpu.memref_slice %arg5[%rem3A_164, %dma_start3A_196] : memref<6x800xi32, #tpu.memory_space<vmem>> -> memref<1x200xi32, #tpu.memory_space<vmem>>
        %dma_start3A_198 = tpu.memref_squeeze %dma_start3A_197 : memref<1x200xi32, #tpu.memory_space<vmem>> -> memref<200xi32, #tpu.memory_space<vmem>>
        %dma_start3A_199 = arith.constant 0 : i32
        %dma_start3A_200 = arith.constant 0 : i32
        %dma_start3A_201 = tpu.memref_slice %arg3[%dma_start3A_199, %dma_start3A_200] : memref<1000000x32xf32, #tpu.memory_space<hbm>> -> memref<1000000x32xf32, #tpu.memory_space<hbm>>
        %dma_start3A_202 = tpu.memref_slice %arg8[%rem3A_160] : memref<3x!tpu.dma_semaphore, #tpu.memory_space<semaphore_mem>> -> memref<1x!tpu.dma_semaphore, #tpu.memory_space<semaphore_mem>>
        %dma_start3A_203 = tpu.memref_squeeze %dma_start3A_202 : memref<1x!tpu.dma_semaphore, #tpu.memory_space<semaphore_mem>> -> memref<!tpu.dma_semaphore, #tpu.memory_space<semaphore_mem>>
        tpu.enqueue_indirect_dma source(%dma_start3A_201 : memref<1000000x32xf32, #tpu.memory_space<hbm>>) target(%dma_start3A_195 : memref<200x32xf32, #tpu.memory_space<vmem>>) offsets(%dma_start3A_198 : memref<200xi32, #tpu.memory_space<vmem>>) semaphore(%dma_start3A_203 : memref<!tpu.dma_semaphore, #tpu.memory_space<semaphore_mem>>)
        %dma_start3A_204 = arith.constant 3 : i32
        %dma_start3A_205 = arith.constant 0 : i32
        %dma_start3A_206 = arith.constant 0 : i32
        %dma_start3A_207 = tpu.memref_slice %arg6[%rem3A_162, %dma_start3A_204, %dma_start3A_205, %dma_start3A_206] : memref<3x4x200x32xf32, #tpu.memory_space<vmem>> -> memref<1x1x200x32xf32, #tpu.memory_space<vmem>>
        %dma_start3A_208 = tpu.memref_squeeze %dma_start3A_207 : memref<1x1x200x32xf32, #tpu.memory_space<vmem>> -> memref<200x32xf32, #tpu.memory_space<vmem>>
        %dma_start3A_209 = arith.constant 600 : i32
        %dma_start3A_210 = tpu.memref_slice %arg5[%rem3A_164, %dma_start3A_209] : memref<6x800xi32, #tpu.memory_space<vmem>> -> memref<1x200xi32, #tpu.memory_space<vmem>>
        %dma_start3A_211 = tpu.memref_squeeze %dma_start3A_210 : memref<1x200xi32, #tpu.memory_space<vmem>> -> memref<200xi32, #tpu.memory_space<vmem>>
        %dma_start3A_212 = arith.constant 0 : i32
        %dma_start3A_213 = arith.constant 0 : i32
        %dma_start3A_214 = tpu.memref_slice %arg3[%dma_start3A_212, %dma_start3A_213] : memref<1000000x32xf32, #tpu.memory_space<hbm>> -> memref<1000000x32xf32, #tpu.memory_space<hbm>>
        %dma_start3A_215 = tpu.memref_slice %arg8[%rem3A_160] : memref<3x!tpu.dma_semaphore, #tpu.memory_space<semaphore_mem>> -> memref<1x!tpu.dma_semaphore, #tpu.memory_space<semaphore_mem>>
        %dma_start3A_216 = tpu.memref_squeeze %dma_start3A_215 : memref<1x!tpu.dma_semaphore, #tpu.memory_space<semaphore_mem>> -> memref<!tpu.dma_semaphore, #tpu.memory_space<semaphore_mem>>
        tpu.enqueue_indirect_dma source(%dma_start3A_214 : memref<1000000x32xf32, #tpu.memory_space<hbm>>) target(%dma_start3A_208 : memref<200x32xf32, #tpu.memory_space<vmem>>) offsets(%dma_start3A_211 : memref<200xi32, #tpu.memory_space<vmem>>) semaphore(%dma_start3A_216 : memref<!tpu.dma_semaphore, #tpu.memory_space<semaphore_mem>>)
      } else {
      }
      %sub3A = arith.constant 2 : i32
      %sub3A_132 = arith.subi %scan3A_129, %sub3A : i32
      %ge3A = arith.constant 0 : i32
      %ge3A_133 = arith.cmpi sge, %sub3A_132, %ge3A : i32
      %convert_element_type3A_134 = arith.extui %ge3A_133 : i1 to i32
      %cond3A_135 = arith.constant 0 : i32
      %cond3A_136 = arith.cmpi ne, %convert_element_type3A_134, %cond3A_135 : i32
      scf.if %cond3A_136 {
        %rem3A_137 = arith.constant 3 : i32
        %rem3A_138 = arith.remsi %sub3A_132, %rem3A_137 : i32
        %rem3A_139 = arith.constant 3 : i32
        %rem3A_140 = arith.remsi %sub3A_132, %rem3A_139 : i32
        %rem3A_141 = arith.constant 6 : i32
        %rem3A_142 = arith.remsi %sub3A_132, %rem3A_141 : i32
        %dma_wait3A = arith.constant 0 : i32
        %dma_wait3A_143 = arith.constant 0 : i32
        %dma_wait3A_144 = arith.constant 0 : i32
        %dma_wait3A_145 = tpu.memref_slice %arg6[%rem3A_140, %dma_wait3A, %dma_wait3A_143, %dma_wait3A_144] : memref<3x4x200x32xf32, #tpu.memory_space<vmem>> -> memref<1x1x200x32xf32, #tpu.memory_space<vmem>>
        %dma_wait3A_146 = tpu.memref_squeeze %dma_wait3A_145 : memref<1x1x200x32xf32, #tpu.memory_space<vmem>> -> memref<200x32xf32, #tpu.memory_space<vmem>>
        %dma_wait3A_147 = arith.constant 0 : i32
        %dma_wait3A_148 = tpu.memref_slice %arg5[%rem3A_142, %dma_wait3A_147] : memref<6x800xi32, #tpu.memory_space<vmem>> -> memref<1x200xi32, #tpu.memory_space<vmem>>
        %dma_wait3A_149 = tpu.memref_squeeze %dma_wait3A_148 : memref<1x200xi32, #tpu.memory_space<vmem>> -> memref<200xi32, #tpu.memory_space<vmem>>
        %dma_wait3A_150 = arith.constant 0 : i32
        %dma_wait3A_151 = arith.constant 0 : i32
        %dma_wait3A_152 = tpu.memref_slice %arg3[%dma_wait3A_150, %dma_wait3A_151] : memref<1000000x32xf32, #tpu.memory_space<hbm>> -> memref<1000000x32xf32, #tpu.memory_space<hbm>>
        %dma_wait3A_153 = tpu.memref_slice %arg8[%rem3A_138] : memref<3x!tpu.dma_semaphore, #tpu.memory_space<semaphore_mem>> -> memref<1x!tpu.dma_semaphore, #tpu.memory_space<semaphore_mem>>
        %dma_wait3A_154 = tpu.memref_squeeze %dma_wait3A_153 : memref<1x!tpu.dma_semaphore, #tpu.memory_space<semaphore_mem>> -> memref<!tpu.dma_semaphore, #tpu.memory_space<semaphore_mem>>
        tpu.wait_indirect_dma semaphore(%dma_wait3A_154 : memref<!tpu.dma_semaphore, #tpu.memory_space<semaphore_mem>>) src(%dma_wait3A_152 : memref<1000000x32xf32, #tpu.memory_space<hbm>>) dst(%dma_wait3A_146 : memref<200x32xf32, #tpu.memory_space<vmem>>)
        %dma_wait3A_155 = arith.constant 1 : i32
        %dma_wait3A_156 = arith.constant 0 : i32
        %dma_wait3A_157 = arith.constant 0 : i32
        %dma_wait3A_158 = tpu.memref_slice %arg6[%rem3A_140, %dma_wait3A_155, %dma_wait3A_156, %dma_wait3A_157] : memref<3x4x200x32xf32, #tpu.memory_space<vmem>> -> memref<1x1x200x32xf32, #tpu.memory_space<vmem>>
        %dma_wait3A_159 = tpu.memref_squeeze %dma_wait3A_158 : memref<1x1x200x32xf32, #tpu.memory_space<vmem>> -> memref<200x32xf32, #tpu.memory_space<vmem>>
        %dma_wait3A_160 = arith.constant 200 : i32
        %dma_wait3A_161 = tpu.memref_slice %arg5[%rem3A_142, %dma_wait3A_160] : memref<6x800xi32, #tpu.memory_space<vmem>> -> memref<1x200xi32, #tpu.memory_space<vmem>>
        %dma_wait3A_162 = tpu.memref_squeeze %dma_wait3A_161 : memref<1x200xi32, #tpu.memory_space<vmem>> -> memref<200xi32, #tpu.memory_space<vmem>>
        %dma_wait3A_163 = arith.constant 0 : i32
        %dma_wait3A_164 = arith.constant 0 : i32
        %dma_wait3A_165 = tpu.memref_slice %arg3[%dma_wait3A_163, %dma_wait3A_164] : memref<1000000x32xf32, #tpu.memory_space<hbm>> -> memref<1000000x32xf32, #tpu.memory_space<hbm>>
        %dma_wait3A_166 = tpu.memref_slice %arg8[%rem3A_138] : memref<3x!tpu.dma_semaphore, #tpu.memory_space<semaphore_mem>> -> memref<1x!tpu.dma_semaphore, #tpu.memory_space<semaphore_mem>>
        %dma_wait3A_167 = tpu.memref_squeeze %dma_wait3A_166 : memref<1x!tpu.dma_semaphore, #tpu.memory_space<semaphore_mem>> -> memref<!tpu.dma_semaphore, #tpu.memory_space<semaphore_mem>>
        tpu.wait_indirect_dma semaphore(%dma_wait3A_167 : memref<!tpu.dma_semaphore, #tpu.memory_space<semaphore_mem>>) src(%dma_wait3A_165 : memref<1000000x32xf32, #tpu.memory_space<hbm>>) dst(%dma_wait3A_159 : memref<200x32xf32, #tpu.memory_space<vmem>>)
        %dma_wait3A_168 = arith.constant 2 : i32
        %dma_wait3A_169 = arith.constant 0 : i32
        %dma_wait3A_170 = arith.constant 0 : i32
        %dma_wait3A_171 = tpu.memref_slice %arg6[%rem3A_140, %dma_wait3A_168, %dma_wait3A_169, %dma_wait3A_170] : memref<3x4x200x32xf32, #tpu.memory_space<vmem>> -> memref<1x1x200x32xf32, #tpu.memory_space<vmem>>
        %dma_wait3A_172 = tpu.memref_squeeze %dma_wait3A_171 : memref<1x1x200x32xf32, #tpu.memory_space<vmem>> -> memref<200x32xf32, #tpu.memory_space<vmem>>
        %dma_wait3A_173 = arith.constant 400 : i32
        %dma_wait3A_174 = tpu.memref_slice %arg5[%rem3A_142, %dma_wait3A_173] : memref<6x800xi32, #tpu.memory_space<vmem>> -> memref<1x200xi32, #tpu.memory_space<vmem>>
        %dma_wait3A_175 = tpu.memref_squeeze %dma_wait3A_174 : memref<1x200xi32, #tpu.memory_space<vmem>> -> memref<200xi32, #tpu.memory_space<vmem>>
        %dma_wait3A_176 = arith.constant 0 : i32
        %dma_wait3A_177 = arith.constant 0 : i32
        %dma_wait3A_178 = tpu.memref_slice %arg3[%dma_wait3A_176, %dma_wait3A_177] : memref<1000000x32xf32, #tpu.memory_space<hbm>> -> memref<1000000x32xf32, #tpu.memory_space<hbm>>
        %dma_wait3A_179 = tpu.memref_slice %arg8[%rem3A_138] : memref<3x!tpu.dma_semaphore, #tpu.memory_space<semaphore_mem>> -> memref<1x!tpu.dma_semaphore, #tpu.memory_space<semaphore_mem>>
        %dma_wait3A_180 = tpu.memref_squeeze %dma_wait3A_179 : memref<1x!tpu.dma_semaphore, #tpu.memory_space<semaphore_mem>> -> memref<!tpu.dma_semaphore, #tpu.memory_space<semaphore_mem>>
        tpu.wait_indirect_dma semaphore(%dma_wait3A_180 : memref<!tpu.dma_semaphore, #tpu.memory_space<semaphore_mem>>) src(%dma_wait3A_178 : memref<1000000x32xf32, #tpu.memory_space<hbm>>) dst(%dma_wait3A_172 : memref<200x32xf32, #tpu.memory_space<vmem>>)
        %dma_wait3A_181 = arith.constant 3 : i32
        %dma_wait3A_182 = arith.constant 0 : i32
        %dma_wait3A_183 = arith.constant 0 : i32
        %dma_wait3A_184 = tpu.memref_slice %arg6[%rem3A_140, %dma_wait3A_181, %dma_wait3A_182, %dma_wait3A_183] : memref<3x4x200x32xf32, #tpu.memory_space<vmem>> -> memref<1x1x200x32xf32, #tpu.memory_space<vmem>>
        %dma_wait3A_185 = tpu.memref_squeeze %dma_wait3A_184 : memref<1x1x200x32xf32, #tpu.memory_space<vmem>> -> memref<200x32xf32, #tpu.memory_space<vmem>>
        %dma_wait3A_186 = arith.constant 600 : i32
        %dma_wait3A_187 = tpu.memref_slice %arg5[%rem3A_142, %dma_wait3A_186] : memref<6x800xi32, #tpu.memory_space<vmem>> -> memref<1x200xi32, #tpu.memory_space<vmem>>
        %dma_wait3A_188 = tpu.memref_squeeze %dma_wait3A_187 : memref<1x200xi32, #tpu.memory_space<vmem>> -> memref<200xi32, #tpu.memory_space<vmem>>
        %dma_wait3A_189 = arith.constant 0 : i32
        %dma_wait3A_190 = arith.constant 0 : i32
        %dma_wait3A_191 = tpu.memref_slice %arg3[%dma_wait3A_189, %dma_wait3A_190] : memref<1000000x32xf32, #tpu.memory_space<hbm>> -> memref<1000000x32xf32, #tpu.memory_space<hbm>>
        %dma_wait3A_192 = tpu.memref_slice %arg8[%rem3A_138] : memref<3x!tpu.dma_semaphore, #tpu.memory_space<semaphore_mem>> -> memref<1x!tpu.dma_semaphore, #tpu.memory_space<semaphore_mem>>
        %dma_wait3A_193 = tpu.memref_squeeze %dma_wait3A_192 : memref<1x!tpu.dma_semaphore, #tpu.memory_space<semaphore_mem>> -> memref<!tpu.dma_semaphore, #tpu.memory_space<semaphore_mem>>
        tpu.wait_indirect_dma semaphore(%dma_wait3A_193 : memref<!tpu.dma_semaphore, #tpu.memory_space<semaphore_mem>>) src(%dma_wait3A_191 : memref<1000000x32xf32, #tpu.memory_space<hbm>>) dst(%dma_wait3A_185 : memref<200x32xf32, #tpu.memory_space<vmem>>)
        %rem3A_194 = arith.constant 3 : i32
        %rem3A_195 = arith.remsi %sub3A_132, %rem3A_194 : i32
        %rem3A_196 = arith.constant 3 : i32
        %rem3A_197 = arith.remsi %sub3A_132, %rem3A_196 : i32
        %mul3A_198 = arith.constant 128 : i32
        %mul3A_199 = arith.muli %add3A, %mul3A_198 : i32
        %add3A_200 = arith.addi %mul3A_199, %sub3A_132 : i32
        %mul3A_201 = arith.constant 200 : i32
        %mul3A_202 = arith.muli %add3A_200, %mul3A_201 : i32
        %multiple_of3A_203 = tpu.assume_multiple %mul3A_202, 8 : i32
        %dma_start3A_204 = arith.constant 0 : i32
        %dma_start3A_205 = arith.constant 0 : i32
        %dma_start3A_206 = arith.constant 0 : i32
        %dma_start3A_207 = tpu.memref_slice %arg6[%rem3A_197, %dma_start3A_204, %dma_start3A_205, %dma_start3A_206] : memref<3x4x200x32xf32, #tpu.memory_space<vmem>> -> memref<1x1x200x32xf32, #tpu.memory_space<vmem>>
        %dma_start3A_208 = tpu.memref_squeeze %dma_start3A_207 : memref<1x1x200x32xf32, #tpu.memory_space<vmem>> -> memref<200x32xf32, #tpu.memory_space<vmem>>
        %dma_start3A_209 = arith.constant 0 : i32
        %dma_start3A_210 = tpu.memref_slice %arg4[%multiple_of3A_203, %dma_start3A_209] : memref<819200x128xf32, #tpu.memory_space<hbm>> -> memref<200x32xf32, #tpu.memory_space<hbm>>
        %dma_start3A_211 = tpu.memref_slice %arg9[%rem3A_195] : memref<3x!tpu.dma_semaphore, #tpu.memory_space<semaphore_mem>> -> memref<1x!tpu.dma_semaphore, #tpu.memory_space<semaphore_mem>>
        %dma_start3A_212 = tpu.memref_squeeze %dma_start3A_211 : memref<1x!tpu.dma_semaphore, #tpu.memory_space<semaphore_mem>> -> memref<!tpu.dma_semaphore, #tpu.memory_space<semaphore_mem>>
        %dma_start3A_213 = arith.constant 0 : i32
        %dma_start3A_214 = tpu.memref_slice %arg4[%multiple_of3A_203, %dma_start3A_213] : memref<819200x128xf32, #tpu.memory_space<hbm>> -> memref<200x32xf32, #tpu.memory_space<hbm>>
        %dma_start3A_215 = arith.constant 0 : i32
        %dma_start3A_216 = arith.constant 0 : i32
        %dma_start3A_217 = tpu.memref_slice %arg6[%rem3A_197, %dma_start3A_204, %dma_start3A_215, %dma_start3A_216] : memref<3x4x200x32xf32, #tpu.memory_space<vmem>> -> memref<1x1x200x32xf32, #tpu.memory_space<vmem>>
        %dma_start3A_218 = tpu.memref_squeeze %dma_start3A_217 : memref<1x1x200x32xf32, #tpu.memory_space<vmem>> -> memref<200x32xf32, #tpu.memory_space<vmem>>
        tpu.enqueue_dma source(%dma_start3A_218 : memref<200x32xf32, #tpu.memory_space<vmem>>) target(%dma_start3A_214 : memref<200x32xf32, #tpu.memory_space<hbm>>) target_semaphore(%dma_start3A_212 : memref<!tpu.dma_semaphore, #tpu.memory_space<semaphore_mem>>)
        %dma_start3A_219 = arith.constant 1 : i32
        %dma_start3A_220 = arith.constant 0 : i32
        %dma_start3A_221 = arith.constant 0 : i32
        %dma_start3A_222 = tpu.memref_slice %arg6[%rem3A_197, %dma_start3A_219, %dma_start3A_220, %dma_start3A_221] : memref<3x4x200x32xf32, #tpu.memory_space<vmem>> -> memref<1x1x200x32xf32, #tpu.memory_space<vmem>>
        %dma_start3A_223 = tpu.memref_squeeze %dma_start3A_222 : memref<1x1x200x32xf32, #tpu.memory_space<vmem>> -> memref<200x32xf32, #tpu.memory_space<vmem>>
        %dma_start3A_224 = arith.constant 32 : i32
        %dma_start3A_225 = tpu.memref_slice %arg4[%multiple_of3A_203, %dma_start3A_224] : memref<819200x128xf32, #tpu.memory_space<hbm>> -> memref<200x32xf32, #tpu.memory_space<hbm>>
        %dma_start3A_226 = tpu.memref_slice %arg9[%rem3A_195] : memref<3x!tpu.dma_semaphore, #tpu.memory_space<semaphore_mem>> -> memref<1x!tpu.dma_semaphore, #tpu.memory_space<semaphore_mem>>
        %dma_start3A_227 = tpu.memref_squeeze %dma_start3A_226 : memref<1x!tpu.dma_semaphore, #tpu.memory_space<semaphore_mem>> -> memref<!tpu.dma_semaphore, #tpu.memory_space<semaphore_mem>>
        %dma_start3A_228 = arith.constant 32 : i32
        %dma_start3A_229 = tpu.memref_slice %arg4[%multiple_of3A_203, %dma_start3A_228] : memref<819200x128xf32, #tpu.memory_space<hbm>> -> memref<200x32xf32, #tpu.memory_space<hbm>>
        %dma_start3A_230 = arith.constant 0 : i32
        %dma_start3A_231 = arith.constant 0 : i32
        %dma_start3A_232 = tpu.memref_slice %arg6[%rem3A_197, %dma_start3A_219, %dma_start3A_230, %dma_start3A_231] : memref<3x4x200x32xf32, #tpu.memory_space<vmem>> -> memref<1x1x200x32xf32, #tpu.memory_space<vmem>>
        %dma_start3A_233 = tpu.memref_squeeze %dma_start3A_232 : memref<1x1x200x32xf32, #tpu.memory_space<vmem>> -> memref<200x32xf32, #tpu.memory_space<vmem>>
        tpu.enqueue_dma source(%dma_start3A_233 : memref<200x32xf32, #tpu.memory_space<vmem>>) target(%dma_start3A_229 : memref<200x32xf32, #tpu.memory_space<hbm>>) target_semaphore(%dma_start3A_227 : memref<!tpu.dma_semaphore, #tpu.memory_space<semaphore_mem>>)
        %dma_start3A_234 = arith.constant 2 : i32
        %dma_start3A_235 = arith.constant 0 : i32
        %dma_start3A_236 = arith.constant 0 : i32
        %dma_start3A_237 = tpu.memref_slice %arg6[%rem3A_197, %dma_start3A_234, %dma_start3A_235, %dma_start3A_236] : memref<3x4x200x32xf32, #tpu.memory_space<vmem>> -> memref<1x1x200x32xf32, #tpu.memory_space<vmem>>
        %dma_start3A_238 = tpu.memref_squeeze %dma_start3A_237 : memref<1x1x200x32xf32, #tpu.memory_space<vmem>> -> memref<200x32xf32, #tpu.memory_space<vmem>>
        %dma_start3A_239 = arith.constant 64 : i32
        %dma_start3A_240 = tpu.memref_slice %arg4[%multiple_of3A_203, %dma_start3A_239] : memref<819200x128xf32, #tpu.memory_space<hbm>> -> memref<200x32xf32, #tpu.memory_space<hbm>>
        %dma_start3A_241 = tpu.memref_slice %arg9[%rem3A_195] : memref<3x!tpu.dma_semaphore, #tpu.memory_space<semaphore_mem>> -> memref<1x!tpu.dma_semaphore, #tpu.memory_space<semaphore_mem>>
        %dma_start3A_242 = tpu.memref_squeeze %dma_start3A_241 : memref<1x!tpu.dma_semaphore, #tpu.memory_space<semaphore_mem>> -> memref<!tpu.dma_semaphore, #tpu.memory_space<semaphore_mem>>
        %dma_start3A_243 = arith.constant 64 : i32
        %dma_start3A_244 = tpu.memref_slice %arg4[%multiple_of3A_203, %dma_start3A_243] : memref<819200x128xf32, #tpu.memory_space<hbm>> -> memref<200x32xf32, #tpu.memory_space<hbm>>
        %dma_start3A_245 = arith.constant 0 : i32
        %dma_start3A_246 = arith.constant 0 : i32
        %dma_start3A_247 = tpu.memref_slice %arg6[%rem3A_197, %dma_start3A_234, %dma_start3A_245, %dma_start3A_246] : memref<3x4x200x32xf32, #tpu.memory_space<vmem>> -> memref<1x1x200x32xf32, #tpu.memory_space<vmem>>
        %dma_start3A_248 = tpu.memref_squeeze %dma_start3A_247 : memref<1x1x200x32xf32, #tpu.memory_space<vmem>> -> memref<200x32xf32, #tpu.memory_space<vmem>>
        tpu.enqueue_dma source(%dma_start3A_248 : memref<200x32xf32, #tpu.memory_space<vmem>>) target(%dma_start3A_244 : memref<200x32xf32, #tpu.memory_space<hbm>>) target_semaphore(%dma_start3A_242 : memref<!tpu.dma_semaphore, #tpu.memory_space<semaphore_mem>>)
        %dma_start3A_249 = arith.constant 3 : i32
        %dma_start3A_250 = arith.constant 0 : i32
        %dma_start3A_251 = arith.constant 0 : i32
        %dma_start3A_252 = tpu.memref_slice %arg6[%rem3A_197, %dma_start3A_249, %dma_start3A_250, %dma_start3A_251] : memref<3x4x200x32xf32, #tpu.memory_space<vmem>> -> memref<1x1x200x32xf32, #tpu.memory_space<vmem>>
        %dma_start3A_253 = tpu.memref_squeeze %dma_start3A_252 : memref<1x1x200x32xf32, #tpu.memory_space<vmem>> -> memref<200x32xf32, #tpu.memory_space<vmem>>
        %dma_start3A_254 = arith.constant 96 : i32
        %dma_start3A_255 = tpu.memref_slice %arg4[%multiple_of3A_203, %dma_start3A_254] : memref<819200x128xf32, #tpu.memory_space<hbm>> -> memref<200x32xf32, #tpu.memory_space<hbm>>
        %dma_start3A_256 = tpu.memref_slice %arg9[%rem3A_195] : memref<3x!tpu.dma_semaphore, #tpu.memory_space<semaphore_mem>> -> memref<1x!tpu.dma_semaphore, #tpu.memory_space<semaphore_mem>>
        %dma_start3A_257 = tpu.memref_squeeze %dma_start3A_256 : memref<1x!tpu.dma_semaphore, #tpu.memory_space<semaphore_mem>> -> memref<!tpu.dma_semaphore, #tpu.memory_space<semaphore_mem>>
        %dma_start3A_258 = arith.constant 96 : i32
        %dma_start3A_259 = tpu.memref_slice %arg4[%multiple_of3A_203, %dma_start3A_258] : memref<819200x128xf32, #tpu.memory_space<hbm>> -> memref<200x32xf32, #tpu.memory_space<hbm>>
        %dma_start3A_260 = arith.constant 0 : i32
        %dma_start3A_261 = arith.constant 0 : i32
        %dma_start3A_262 = tpu.memref_slice %arg6[%rem3A_197, %dma_start3A_249, %dma_start3A_260, %dma_start3A_261] : memref<3x4x200x32xf32, #tpu.memory_space<vmem>> -> memref<1x1x200x32xf32, #tpu.memory_space<vmem>>
        %dma_start3A_263 = tpu.memref_squeeze %dma_start3A_262 : memref<1x1x200x32xf32, #tpu.memory_space<vmem>> -> memref<200x32xf32, #tpu.memory_space<vmem>>
        tpu.enqueue_dma source(%dma_start3A_263 : memref<200x32xf32, #tpu.memory_space<vmem>>) target(%dma_start3A_259 : memref<200x32xf32, #tpu.memory_space<hbm>>) target_semaphore(%dma_start3A_257 : memref<!tpu.dma_semaphore, #tpu.memory_space<semaphore_mem>>)
        %add3A_264 = arith.constant 6 : i32
        %add3A_265 = arith.addi %sub3A_132, %add3A_264 : i32
        %lt3A_266 = arith.constant 128 : i32
        %lt3A_267 = arith.cmpi slt, %add3A_265, %lt3A_266 : i32
        %convert_element_type3A_268 = arith.extui %lt3A_267 : i1 to i32
        %cond3A_269 = arith.constant 0 : i32
        %cond3A_270 = arith.cmpi ne, %convert_element_type3A_268, %cond3A_269 : i32
        scf.if %cond3A_270 {
          %add3A_271 = arith.constant 6 : i32
          %add3A_272 = arith.addi %sub3A_132, %add3A_271 : i32
          %rem3A_273 = arith.constant 6 : i32
          %rem3A_274 = arith.remsi %add3A_272, %rem3A_273 : i32
          %mul3A_275 = arith.constant 128 : i32
          %mul3A_276 = arith.muli %add3A, %mul3A_275 : i32
          %add3A_277 = arith.addi %mul3A_276, %add3A_272 : i32
          %mul3A_278 = arith.constant 800 : i32
          %mul3A_279 = arith.muli %add3A_277, %mul3A_278 : i32
          %multiple_of3A_280 = tpu.assume_multiple %mul3A_279, 8 : i32
          %dma_start3A_281 = arith.constant 0 : i32
          %dma_start3A_282 = tpu.memref_slice %arg5[%rem3A_274, %dma_start3A_281] : memref<6x800xi32, #tpu.memory_space<vmem>> -> memref<1x800xi32, #tpu.memory_space<vmem>>
          %dma_start3A_283 = tpu.memref_squeeze %dma_start3A_282 : memref<1x800xi32, #tpu.memory_space<vmem>> -> memref<800xi32, #tpu.memory_space<vmem>>
          %dma_start3A_284 = tpu.memref_slice %arg2[%multiple_of3A_280] : memref<3276800xi32, #tpu.memory_space<hbm>> -> memref<800xi32, #tpu.memory_space<hbm>>
          %dma_start3A_285 = tpu.memref_slice %arg7[%rem3A_274] : memref<6x!tpu.dma_semaphore, #tpu.memory_space<semaphore_mem>> -> memref<1x!tpu.dma_semaphore, #tpu.memory_space<semaphore_mem>>
          %dma_start3A_286 = tpu.memref_squeeze %dma_start3A_285 : memref<1x!tpu.dma_semaphore, #tpu.memory_space<semaphore_mem>> -> memref<!tpu.dma_semaphore, #tpu.memory_space<semaphore_mem>>
          %dma_start3A_287 = arith.constant 0 : i32
          %dma_start3A_288 = tpu.memref_slice %arg5[%rem3A_274, %dma_start3A_287] : memref<6x800xi32, #tpu.memory_space<vmem>> -> memref<1x800xi32, #tpu.memory_space<vmem>>
          %dma_start3A_289 = tpu.memref_squeeze %dma_start3A_288 : memref<1x800xi32, #tpu.memory_space<vmem>> -> memref<800xi32, #tpu.memory_space<vmem>>
          %dma_start3A_290 = tpu.memref_slice %arg2[%multiple_of3A_280] : memref<3276800xi32, #tpu.memory_space<hbm>> -> memref<800xi32, #tpu.memory_space<hbm>>
          tpu.enqueue_dma source(%dma_start3A_290 : memref<800xi32, #tpu.memory_space<hbm>>) target(%dma_start3A_289 : memref<800xi32, #tpu.memory_space<vmem>>) target_semaphore(%dma_start3A_286 : memref<!tpu.dma_semaphore, #tpu.memory_space<semaphore_mem>>)
        } else {
        }
      } else {
      }
    }
    %scan3A_122 = arith.constant 130 : i32
    %scan3A_123 = arith.constant 0 : i32
    %scan3A_124 = arith.constant 125 : i32
    %scan3A_125 = arith.constant 3 : i32
    %scan3A_126 = arith.addi %scan3A_124, %scan3A_125 : i32
    %scan3A_127 = arith.constant 1 : i32
    scf.for %scan3A_129 = %scan3A_124 to %scan3A_126 step %scan3A_127  : i32 {
      %rem3A_130 = arith.constant 3 : i32
      %rem3A_131 = arith.remsi %scan3A_129, %rem3A_130 : i32
      %rem3A_132 = arith.constant 3 : i32
      %rem3A_133 = arith.remsi %scan3A_129, %rem3A_132 : i32
      %mul3A_134 = arith.constant 128 : i32
      %mul3A_135 = arith.muli %add3A, %mul3A_134 : i32
      %add3A_136 = arith.addi %mul3A_135, %scan3A_129 : i32
      %mul3A_137 = arith.constant 200 : i32
      %mul3A_138 = arith.muli %add3A_136, %mul3A_137 : i32
      %multiple_of3A_139 = tpu.assume_multiple %mul3A_138, 8 : i32
      %dma_wait3A = arith.constant 0 : i32
      %dma_wait3A_140 = arith.constant 0 : i32
      %dma_wait3A_141 = arith.constant 0 : i32
      %dma_wait3A_142 = tpu.memref_slice %arg6[%rem3A_133, %dma_wait3A, %dma_wait3A_140, %dma_wait3A_141] : memref<3x4x200x32xf32, #tpu.memory_space<vmem>> -> memref<1x1x200x32xf32, #tpu.memory_space<vmem>>
      %dma_wait3A_143 = tpu.memref_squeeze %dma_wait3A_142 : memref<1x1x200x32xf32, #tpu.memory_space<vmem>> -> memref<200x32xf32, #tpu.memory_space<vmem>>
      %dma_wait3A_144 = arith.constant 0 : i32
      %dma_wait3A_145 = tpu.memref_slice %arg4[%multiple_of3A_139, %dma_wait3A_144] : memref<819200x128xf32, #tpu.memory_space<hbm>> -> memref<200x32xf32, #tpu.memory_space<hbm>>
      %dma_wait3A_146 = tpu.memref_slice %arg9[%rem3A_131] : memref<3x!tpu.dma_semaphore, #tpu.memory_space<semaphore_mem>> -> memref<1x!tpu.dma_semaphore, #tpu.memory_space<semaphore_mem>>
      %dma_wait3A_147 = tpu.memref_squeeze %dma_wait3A_146 : memref<1x!tpu.dma_semaphore, #tpu.memory_space<semaphore_mem>> -> memref<!tpu.dma_semaphore, #tpu.memory_space<semaphore_mem>>
      %dma_wait3A_148 = arith.constant 0 : i32
      %dma_wait3A_149 = tpu.memref_slice %arg4[%multiple_of3A_139, %dma_wait3A_148] : memref<819200x128xf32, #tpu.memory_space<hbm>> -> memref<200x32xf32, #tpu.memory_space<hbm>>
      %dma_wait3A_150 = arith.constant 0 : i32
      %dma_wait3A_151 = arith.constant 0 : i32
      %dma_wait3A_152 = tpu.memref_slice %arg6[%rem3A_133, %dma_wait3A, %dma_wait3A_150, %dma_wait3A_151] : memref<3x4x200x32xf32, #tpu.memory_space<vmem>> -> memref<1x1x200x32xf32, #tpu.memory_space<vmem>>
      %dma_wait3A_153 = tpu.memref_squeeze %dma_wait3A_152 : memref<1x1x200x32xf32, #tpu.memory_space<vmem>> -> memref<200x32xf32, #tpu.memory_space<vmem>>
      tpu.wait_dma2 semaphore(%dma_wait3A_147 : memref<!tpu.dma_semaphore, #tpu.memory_space<semaphore_mem>>) src(%dma_wait3A_153 : memref<200x32xf32, #tpu.memory_space<vmem>>) dst(%dma_wait3A_149 : memref<200x32xf32, #tpu.memory_space<hbm>>)
      %dma_wait3A_154 = arith.constant 1 : i32
      %dma_wait3A_155 = arith.constant 0 : i32
      %dma_wait3A_156 = arith.constant 0 : i32
      %dma_wait3A_157 = tpu.memref_slice %arg6[%rem3A_133, %dma_wait3A_154, %dma_wait3A_155, %dma_wait3A_156] : memref<3x4x200x32xf32, #tpu.memory_space<vmem>> -> memref<1x1x200x32xf32, #tpu.memory_space<vmem>>
      %dma_wait3A_158 = tpu.memref_squeeze %dma_wait3A_157 : memref<1x1x200x32xf32, #tpu.memory_space<vmem>> -> memref<200x32xf32, #tpu.memory_space<vmem>>
      %dma_wait3A_159 = arith.constant 32 : i32
      %dma_wait3A_160 = tpu.memref_slice %arg4[%multiple_of3A_139, %dma_wait3A_159] : memref<819200x128xf32, #tpu.memory_space<hbm>> -> memref<200x32xf32, #tpu.memory_space<hbm>>
      %dma_wait3A_161 = tpu.memref_slice %arg9[%rem3A_131] : memref<3x!tpu.dma_semaphore, #tpu.memory_space<semaphore_mem>> -> memref<1x!tpu.dma_semaphore, #tpu.memory_space<semaphore_mem>>
      %dma_wait3A_162 = tpu.memref_squeeze %dma_wait3A_161 : memref<1x!tpu.dma_semaphore, #tpu.memory_space<semaphore_mem>> -> memref<!tpu.dma_semaphore, #tpu.memory_space<semaphore_mem>>
      %dma_wait3A_163 = arith.constant 32 : i32
      %dma_wait3A_164 = tpu.memref_slice %arg4[%multiple_of3A_139, %dma_wait3A_163] : memref<819200x128xf32, #tpu.memory_space<hbm>> -> memref<200x32xf32, #tpu.memory_space<hbm>>
      %dma_wait3A_165 = arith.constant 0 : i32
      %dma_wait3A_166 = arith.constant 0 : i32
      %dma_wait3A_167 = tpu.memref_slice %arg6[%rem3A_133, %dma_wait3A_154, %dma_wait3A_165, %dma_wait3A_166] : memref<3x4x200x32xf32, #tpu.memory_space<vmem>> -> memref<1x1x200x32xf32, #tpu.memory_space<vmem>>
      %dma_wait3A_168 = tpu.memref_squeeze %dma_wait3A_167 : memref<1x1x200x32xf32, #tpu.memory_space<vmem>> -> memref<200x32xf32, #tpu.memory_space<vmem>>
      tpu.wait_dma2 semaphore(%dma_wait3A_162 : memref<!tpu.dma_semaphore, #tpu.memory_space<semaphore_mem>>) src(%dma_wait3A_168 : memref<200x32xf32, #tpu.memory_space<vmem>>) dst(%dma_wait3A_164 : memref<200x32xf32, #tpu.memory_space<hbm>>)
      %dma_wait3A_169 = arith.constant 2 : i32
      %dma_wait3A_170 = arith.constant 0 : i32
      %dma_wait3A_171 = arith.constant 0 : i32
      %dma_wait3A_172 = tpu.memref_slice %arg6[%rem3A_133, %dma_wait3A_169, %dma_wait3A_170, %dma_wait3A_171] : memref<3x4x200x32xf32, #tpu.memory_space<vmem>> -> memref<1x1x200x32xf32, #tpu.memory_space<vmem>>
      %dma_wait3A_173 = tpu.memref_squeeze %dma_wait3A_172 : memref<1x1x200x32xf32, #tpu.memory_space<vmem>> -> memref<200x32xf32, #tpu.memory_space<vmem>>
      %dma_wait3A_174 = arith.constant 64 : i32
      %dma_wait3A_175 = tpu.memref_slice %arg4[%multiple_of3A_139, %dma_wait3A_174] : memref<819200x128xf32, #tpu.memory_space<hbm>> -> memref<200x32xf32, #tpu.memory_space<hbm>>
      %dma_wait3A_176 = tpu.memref_slice %arg9[%rem3A_131] : memref<3x!tpu.dma_semaphore, #tpu.memory_space<semaphore_mem>> -> memref<1x!tpu.dma_semaphore, #tpu.memory_space<semaphore_mem>>
      %dma_wait3A_177 = tpu.memref_squeeze %dma_wait3A_176 : memref<1x!tpu.dma_semaphore, #tpu.memory_space<semaphore_mem>> -> memref<!tpu.dma_semaphore, #tpu.memory_space<semaphore_mem>>
      %dma_wait3A_178 = arith.constant 64 : i32
      %dma_wait3A_179 = tpu.memref_slice %arg4[%multiple_of3A_139, %dma_wait3A_178] : memref<819200x128xf32, #tpu.memory_space<hbm>> -> memref<200x32xf32, #tpu.memory_space<hbm>>
      %dma_wait3A_180 = arith.constant 0 : i32
      %dma_wait3A_181 = arith.constant 0 : i32
      %dma_wait3A_182 = tpu.memref_slice %arg6[%rem3A_133, %dma_wait3A_169, %dma_wait3A_180, %dma_wait3A_181] : memref<3x4x200x32xf32, #tpu.memory_space<vmem>> -> memref<1x1x200x32xf32, #tpu.memory_space<vmem>>
      %dma_wait3A_183 = tpu.memref_squeeze %dma_wait3A_182 : memref<1x1x200x32xf32, #tpu.memory_space<vmem>> -> memref<200x32xf32, #tpu.memory_space<vmem>>
      tpu.wait_dma2 semaphore(%dma_wait3A_177 : memref<!tpu.dma_semaphore, #tpu.memory_space<semaphore_mem>>) src(%dma_wait3A_183 : memref<200x32xf32, #tpu.memory_space<vmem>>) dst(%dma_wait3A_179 : memref<200x32xf32, #tpu.memory_space<hbm>>)
      %dma_wait3A_184 = arith.constant 3 : i32
      %dma_wait3A_185 = arith.constant 0 : i32
      %dma_wait3A_186 = arith.constant 0 : i32
      %dma_wait3A_187 = tpu.memref_slice %arg6[%rem3A_133, %dma_wait3A_184, %dma_wait3A_185, %dma_wait3A_186] : memref<3x4x200x32xf32, #tpu.memory_space<vmem>> -> memref<1x1x200x32xf32, #tpu.memory_space<vmem>>
      %dma_wait3A_188 = tpu.memref_squeeze %dma_wait3A_187 : memref<1x1x200x32xf32, #tpu.memory_space<vmem>> -> memref<200x32xf32, #tpu.memory_space<vmem>>
      %dma_wait3A_189 = arith.constant 96 : i32
      %dma_wait3A_190 = tpu.memref_slice %arg4[%multiple_of3A_139, %dma_wait3A_189] : memref<819200x128xf32, #tpu.memory_space<hbm>> -> memref<200x32xf32, #tpu.memory_space<hbm>>
      %dma_wait3A_191 = tpu.memref_slice %arg9[%rem3A_131] : memref<3x!tpu.dma_semaphore, #tpu.memory_space<semaphore_mem>> -> memref<1x!tpu.dma_semaphore, #tpu.memory_space<semaphore_mem>>
      %dma_wait3A_192 = tpu.memref_squeeze %dma_wait3A_191 : memref<1x!tpu.dma_semaphore, #tpu.memory_space<semaphore_mem>> -> memref<!tpu.dma_semaphore, #tpu.memory_space<semaphore_mem>>
      %dma_wait3A_193 = arith.constant 96 : i32
      %dma_wait3A_194 = tpu.memref_slice %arg4[%multiple_of3A_139, %dma_wait3A_193] : memref<819200x128xf32, #tpu.memory_space<hbm>> -> memref<200x32xf32, #tpu.memory_space<hbm>>
      %dma_wait3A_195 = arith.constant 0 : i32
      %dma_wait3A_196 = arith.constant 0 : i32
      %dma_wait3A_197 = tpu.memref_slice %arg6[%rem3A_133, %dma_wait3A_184, %dma_wait3A_195, %dma_wait3A_196] : memref<3x4x200x32xf32, #tpu.memory_space<vmem>> -> memref<1x1x200x32xf32, #tpu.memory_space<vmem>>
      %dma_wait3A_198 = tpu.memref_squeeze %dma_wait3A_197 : memref<1x1x200x32xf32, #tpu.memory_space<vmem>> -> memref<200x32xf32, #tpu.memory_space<vmem>>
      tpu.wait_dma2 semaphore(%dma_wait3A_192 : memref<!tpu.dma_semaphore, #tpu.memory_space<semaphore_mem>>) src(%dma_wait3A_198 : memref<200x32xf32, #tpu.memory_space<vmem>>) dst(%dma_wait3A_194 : memref<200x32xf32, #tpu.memory_space<hbm>>)
    }
    %scan3A_128 = arith.constant 3 : i32
    return
  }
}

module attributes {stable_mosaic.version = 14 : i64} {
  func.func @_format_body(%arg0: i32, %arg1: memref<3200x128xf32, #tpu.memory_space<vmem>>, %arg2: memref<16x4x200x32xf32, #tpu.memory_space<vmem>>) attributes {dimension_semantics = [#tpu.dimension_semantics<arbitrary>], iteration_bounds = array<i64: 256>, scalar_prefetch = 0 : i64, scratch_operands = 0 : i64, tpu.core_type = #tpu.core_type<tc>, window_params = [{transform_indices = @transform_0, window_bounds = array<i64: 3200, 128>}, {transform_indices = @transform_1, window_bounds = array<i64: 16, 4, 200, 32>}]} {
    %get3A = arith.constant 0 : index
    %get3A_0 = arith.constant 0 : index
    %get3A_1 = vector.load %arg1[%get3A, %get3A_0] : memref<3200x128xf32, #tpu.memory_space<vmem>>, vector<3200x128xf32>
    %reshape3A = vector.shape_cast %get3A_1 : vector<3200x128xf32> to vector<16x200x128xf32>
    %slice3A = vector.extract_strided_slice %reshape3A {offsets = [0, 0, 0], sizes = [16, 200, 32], strides = [1, 1, 1]} : vector<16x200x128xf32> to vector<16x200x32xf32>
    %swap3A = arith.constant 0 : index
    %swap3A_2 = arith.constant 0 : index
    %swap3A_3 = arith.constant 0 : index
    %swap3A_4 = arith.constant 0 : index
    %swap3A_5 = vector.load %arg2[%swap3A, %swap3A_2, %swap3A_3, %swap3A_4] : memref<16x4x200x32xf32, #tpu.memory_space<vmem>>, vector<16x1x200x32xf32>
    %swap3A_6 = vector.shape_cast %swap3A_5 : vector<16x1x200x32xf32> to vector<16x200x32xf32>
    %swap3A_7 = vector.shape_cast %slice3A : vector<16x200x32xf32> to vector<16x1x200x32xf32>
    tpu.vector_store %arg2[%swap3A, %swap3A_2, %swap3A_3, %swap3A_4], %swap3A_7 {strides = array<i32>} : memref<16x4x200x32xf32, #tpu.memory_space<vmem>>, vector<16x1x200x32xf32>,
    %slice3A_8 = vector.extract_strided_slice %reshape3A {offsets = [0, 0, 32], sizes = [16, 200, 32], strides = [1, 1, 1]} : vector<16x200x128xf32> to vector<16x200x32xf32>
    %swap3A_9 = arith.constant 0 : index
    %swap3A_10 = arith.constant 1 : index
    %swap3A_11 = arith.constant 0 : index
    %swap3A_12 = arith.constant 0 : index
    %swap3A_13 = vector.load %arg2[%swap3A_9, %swap3A_10, %swap3A_11, %swap3A_12] : memref<16x4x200x32xf32, #tpu.memory_space<vmem>>, vector<16x1x200x32xf32>
    %swap3A_14 = vector.shape_cast %swap3A_13 : vector<16x1x200x32xf32> to vector<16x200x32xf32>
    %swap3A_15 = vector.shape_cast %slice3A_8 : vector<16x200x32xf32> to vector<16x1x200x32xf32>
    tpu.vector_store %arg2[%swap3A_9, %swap3A_10, %swap3A_11, %swap3A_12], %swap3A_15 {strides = array<i32>} : memref<16x4x200x32xf32, #tpu.memory_space<vmem>>, vector<16x1x200x32xf32>,
    %slice3A_16 = vector.extract_strided_slice %reshape3A {offsets = [0, 0, 64], sizes = [16, 200, 32], strides = [1, 1, 1]} : vector<16x200x128xf32> to vector<16x200x32xf32>
    %swap3A_17 = arith.constant 0 : index
    %swap3A_18 = arith.constant 2 : index
    %swap3A_19 = arith.constant 0 : index
    %swap3A_20 = arith.constant 0 : index
    %swap3A_21 = vector.load %arg2[%swap3A_17, %swap3A_18, %swap3A_19, %swap3A_20] : memref<16x4x200x32xf32, #tpu.memory_space<vmem>>, vector<16x1x200x32xf32>
    %swap3A_22 = vector.shape_cast %swap3A_21 : vector<16x1x200x32xf32> to vector<16x200x32xf32>
    %swap3A_23 = vector.shape_cast %slice3A_16 : vector<16x200x32xf32> to vector<16x1x200x32xf32>
    tpu.vector_store %arg2[%swap3A_17, %swap3A_18, %swap3A_19, %swap3A_20], %swap3A_23 {strides = array<i32>} : memref<16x4x200x32xf32, #tpu.memory_space<vmem>>, vector<16x1x200x32xf32>,
    %slice3A_24 = vector.extract_strided_slice %reshape3A {offsets = [0, 0, 96], sizes = [16, 200, 32], strides = [1, 1, 1]} : vector<16x200x128xf32> to vector<16x200x32xf32>
    %swap3A_25 = arith.constant 0 : index
    %swap3A_26 = arith.constant 3 : index
    %swap3A_27 = arith.constant 0 : index
    %swap3A_28 = arith.constant 0 : index
    %swap3A_29 = vector.load %arg2[%swap3A_25, %swap3A_26, %swap3A_27, %swap3A_28] : memref<16x4x200x32xf32, #tpu.memory_space<vmem>>, vector<16x1x200x32xf32>
    %swap3A_30 = vector.shape_cast %swap3A_29 : vector<16x1x200x32xf32> to vector<16x200x32xf32>
    %swap3A_31 = vector.shape_cast %slice3A_24 : vector<16x200x32xf32> to vector<16x1x200x32xf32>
    tpu.vector_store %arg2[%swap3A_25, %swap3A_26, %swap3A_27, %swap3A_28], %swap3A_31 {strides = array<i32>} : memref<16x4x200x32xf32, #tpu.memory_space<vmem>>, vector<16x1x200x32xf32>,
    return
  }
  func.func @transform_0(%arg0: i32) -> (i32, i32) {
    %c0_i32 = arith.constant 0 : i32
    %c0_i32_0 = arith.constant 0 : i32
    return %arg0, %c0_i32 : i32, i32
  }
  func.func @transform_1(%arg0: i32) -> (i32, i32, i32, i32) {
    %c0_i32 = arith.constant 0 : i32
    %c0_i32_0 = arith.constant 0 : i32
    %c0_i32_1 = arith.constant 0 : i32
    %c0_i32_2 = arith.constant 0 : i32
    return %arg0, %c0_i32, %c0_i32_0, %c0_i32_1 : i32, i32, i32, i32
  }
}

</mosaic_0001>

<sc_bundles>
// kernel: kernel.4.cloned.1.call-start
scs
__scs_entry_jumppad:
0x0: {  	(pc) =	sbr.rel $0x88, $3  }
0x1: {  	(tag) =	ssettag $0x0;
	lr =	simm.s32 $0x1  }
0x2: {  	[smem:$0x3F9F] =	sst lr;
	_ =	strace $0xD0000000  }
0x3: {  	_ = 	snop  }
0x4: {  	_ = 	snop  }
0x5: {  	_ = 	snop  }
0x6: {  	_ = 	snop  }
0x7: {  	_ = 	snop  }
__scs_overlays_trampoline_lowered:
0x8: {  	[smem:$0x3FAE] =	sst s0  }
0x9: {  	[smem:$0x3FAF] =	sst s1  }
0xa: {  	[smem:$0x3FB0] =	sst s2  }
0xb: {  	[smem:$0x3FB1] =	sst s3  }
0xc: {  	[smem:$0x3FB2] =	sst s4  }
0xd: {  	[smem:$0x3FB3] =	sst s5  }
0xe: {  	[smem:$0x3FB4] =	sst s6  }
0xf: {  	[smem:$0x3FB5] =	sst s7  }
0x10: {  	[smem:$0x3FB6] =	sst s8  }
0x11: {  	[smem:$0x3FB7] =	sst s9;
	s0 =	simm.s32 @!p0 $0x0  }
0x12: {  	s1 =	sld [smem:$0x3F9D];
	s0 =	simm.s32 @p0 $0x1  }
0x13: {  	[smem:$0x3FB8] =	sst s0;
	s0 =	simm.s32 @!p1 $0x0  }
0x14: {  	s2 =	sld [smem:$0x3F9C];
	s0 =	simm.s32 @p1 $0x1  }
0x15: {  	[smem:$0x3FB9] =	sst s0;
	s0 =	simm.s32 @!p2 $0x0  }
0x16: {  	s3 =	sld [smem:$0x3FDB];
	s0 =	simm.s32 @p2 $0x1  }
0x17: {  	s4 =	simm.s32 $0x1BF5;
	[smem:$0x3FBB] =	sst s0  }
0x18: {  	s0 =	sld [smem:$0x3F9E];
	_ =	swait.ge [sflag:s4], $0x0  }
0x19: {  	s7 =	sld [smem:$0x3F9F]  }
0x1a: {  	s8 =	sadd.s32 $0xFFFFE003, lr  }
0x1b: {  	s9 =	sadd.s32 $0xFFFFFEF7, lr;
	s5 =	simm.s32 $0xFFFFFFFF;
	p2 =	slt.u32 s8, $0xFFFFF086  }
0x1c: {  	p1 =	slt.u32 s9, $0xF7A;
	s5 =	simm.s32 @!p2 $0x0  }
0x1d: {  	s5 =	simm.s32 @p1 $0x1;
	p0 =	seq.s32 s7, s2  }
0x1e: {  	s7 =	smul.u32 @!p0 $0xF7A, s2;
	p2 =	seq.s32 @!p0 s5, $0x0  }
0x1f: {  	s9 =	smul.u32 $0xF7A, s1;
	s8 =	simm.s32 @!p0 $0x1BF5;
	p2 =	por !p2, p0  }
0x20: {  	[sflag:s8] =	ssyncset.s32 @!p0 $0xFFFFF086;
	s6 =	sadd.s32 @!p0 s3, s7;
	s7 =	simm.s32 @!p0 $0x108  }
0x21: {  	s3 =	sadd.s32 s3, s9;
	s6 =	sadd.s32 @!p0 $0x88, s6;
	s7 =	simm.s32 @p2 $0x1082  }
0x22: {  	[simem:s7], [sflag:s8] =	dma.local @!p0 [hbm:s6], $0xF7A  }
0x23: {  	s9 =	sor.u32 $0xD0000000, s2;
	s6 =	simm.s32 $0x108;
	_ =	swait.ge @!p0 [sflag:s8], $0x0  }
0x24: {  	s3 =	sadd.s32 $0x88, s3;
	s6 =	simm.s32 @!p1 $0x1082;
	[sflag:s4] =	ssyncset.s32 $0xFFFFF086  }
0x25: {  	[simem:s6], [sflag:s4] =	dma.local [hbm:s3], $0xF7A  }
0x26: {  	[smem:$0x3F9F] =	sst s1;
	(tag) =	ssettag s2;
	_ =	strace s9  }
0x27: {  	s1 =	sld [smem:$0x3FAF]  }
0x28: {  	s2 =	sld [smem:$0x3FB0]  }
0x29: {  	s4 =	sld [smem:$0x3FB2]  }
0x2a: {  	p0 =	seq.s32 s5, $0x0;
	s5 =	sld [smem:$0x3FB3]  }
0x2b: {  	s6 =	sld [smem:$0x3FB4]  }
0x2c: {  	s7 =	sld [smem:$0x3FB5]  }
0x2d: {  	s3 =	simm.s32 $0x108;
	s8 =	sld [smem:$0x3FB6]  }
0x2e: {  	s3 =	simm.s32 @!p0 $0x1082;
	s9 =	sld [smem:$0x3FB7]  }
0x2f: {  	lr =	sadd.s32 s0, s3;
	s0 =	sld [smem:$0x3FAE]  }
0x30: {  	s3 =	sld [smem:$0x3FB1]  }
0x31: {  	[smem:$0x3FBA] =	sst s10  }
0x32: {  	s10 =	sld [smem:$0x3FB8];
	_ =	sdelay $0x3  }
0x33: {  	p0 =	seq.s32 s10, $0x1;
	s10 =	sld [smem:$0x3FBA];
	_ =	sdelay $0x3  }
0x34: {  	[smem:$0x3FBA] =	sst s10  }
0x35: {  	s10 =	sld [smem:$0x3FB9];
	_ =	sdelay $0x3  }
0x36: {  	p1 =	seq.s32 s10, $0x1;
	s10 =	sld [smem:$0x3FBA];
	_ =	sdelay $0x3  }
0x37: {  	[smem:$0x3FBA] =	sst s10  }
0x38: {  	s10 =	sld [smem:$0x3FBB]  }
0x39: {  	_ = 	snop;
	(pc) =	sbr.ind lr, $3  }
0x3a: {  	_ = 	snop  }
0x3b: {  	_ = 	snop  }
0x3c: {  	p2 =	seq.s32 s10, $0x1;
	s10 =	sld [smem:$0x3FBA]  }
0x3d: {  	_ =	shalt  }
0x3e: {  	_ =	shalt  }
0x3f: {  	_ =	shalt  }
0x40: {  	_ =	shalt  }
0x41: {  	_ =	shalt  }
0x42: {  	_ =	shalt  }
0x43: {  	_ =	shalt  }
0x44: {  	_ =	shalt  }
0x45: {  	_ =	shalt  }
0x46: {  	_ =	shalt  }
0x47: {  	_ =	shalt  }
0x48: {  	_ =	shalt  }
0x49: {  	_ =	shalt  }
0x4a: {  	_ =	shalt  }
0x4b: {  	_ =	shalt  }
0x4c: {  	_ =	shalt  }
0x4d: {  	_ =	shalt  }
0x4e: {  	_ =	shalt  }
0x4f: {  	_ =	shalt  }
0x50: {  	_ =	shalt  }
0x51: {  	_ =	shalt  }
0x52: {  	_ =	shalt  }
0x53: {  	_ =	shalt  }
0x54: {  	_ =	shalt  }
0x55: {  	_ =	shalt  }
0x56: {  	_ =	shalt  }
0x57: {  	_ =	shalt  }
0x58: {  	_ =	shalt  }
0x59: {  	_ =	shalt  }
0x5a: {  	_ =	shalt  }
0x5b: {  	_ =	shalt  }
0x5c: {  	_ =	shalt  }
0x5d: {  	_ =	shalt  }
0x5e: {  	_ =	shalt  }
0x5f: {  	_ =	shalt  }
0x60: {  	_ =	shalt  }
0x61: {  	_ =	shalt  }
0x62: {  	_ =	shalt  }
0x63: {  	_ =	shalt  }
0x64: {  	_ =	shalt  }
0x65: {  	_ =	shalt  }
0x66: {  	_ =	shalt  }
0x67: {  	_ =	shalt  }
0x68: {  	_ =	shalt  }
0x69: {  	_ =	shalt  }
0x6a: {  	_ =	shalt  }
0x6b: {  	_ =	shalt  }
0x6c: {  	_ =	shalt  }
0x6d: {  	_ =	shalt  }
0x6e: {  	_ =	shalt  }
0x6f: {  	_ =	shalt  }
0x70: {  	_ =	shalt  }
0x71: {  	_ =	shalt  }
0x72: {  	_ =	shalt  }
0x73: {  	_ =	shalt  }
0x74: {  	_ =	shalt  }
0x75: {  	_ =	shalt  }
0x76: {  	_ =	shalt  }
0x77: {  	_ =	shalt  }
0x78: {  	_ =	shalt  }
0x79: {  	_ =	shalt  }
0x7a: {  	_ =	shalt  }
0x7b: {  	_ =	shalt  }
0x7c: {  	_ =	shalt  }
0x7d: {  	_ =	shalt  }
0x7e: {  	_ =	shalt  }
0x7f: {  	_ =	shalt  }
0x80: {  	_ =	shalt  }
0x81: {  	_ =	shalt  }
0x82: {  	_ =	shalt  }
0x83: {  	_ =	shalt  }
0x84: {  	_ =	shalt  }
0x85: {  	_ =	shalt  }
0x86: {  	_ =	shalt  }
0x87: {  	_ =	shalt  }
.Lfunc_end0:
.L_simem_size_0:
called_computation.1_lowered:
.L_overlay_start_0:
0x88: {  	s2 =	sld [smem:$0x3FD9]  }
0x89: {  	s3 =	sld [smem:$0x3FFE];
	_ =	sdelay $0x1  }
0x8a: {  	s1 =	srdreg.scid  }
0x8b: {  	s0 =	sand.u32 $0x1, s1  }
0x8c: {  	s17 =	sshll.u32 s0, $0xA;
	s2 =	sadd.s32 s3, s2  }
0x8d: {  	s2 =	sadd.s32 s2, s17  }
0x8e: {  	[smem:$0x3FC6] =	sst s2  }
0x8f: {  	_ = 	snop  }
0x90: {  	s2 =	sld [smem:$0x3FD0];
	(tm) =	ssettm $0x1  }
0x91: {  	s18 =	sld [smem:$0x3FFB];
	_ =	sdelay $0x3  }
0x92: {  	_ =	strace s18  }
0x93: {  	s3 =	sld [smem:$0x3FFC];
	_ =	sdelay $0x3  }
0x94: {  	_ =	strace s3  }
0x95: {  	s3 =	sld [smem:$0x3FFD];
	_ =	sdelay $0x3  }
0x96: {  	_ =	strace s3  }
0x97: {  	_ =	strace $0x8FFFFFFF  }
0x98: {  	s19 =	sld [smem:$0x3FDB];
	_ =	sdelay $0x1  }
0x99: {  	s4 =	simm.s32 $_scs_section_size  }
0x9a: {  	s5 =	simm.s32 $_size__tile_overlayer_lowered;
	s6 =	simm.s32 $_tile_overlayer_lowered  }
0x9b: {  	s22 =	simm.s32 $0x1BFF;
	s21 =	sshll.u32 s6, $0x1;
	s3 =	sadd.s32 s4, s19  }
0x9c: {  	s7 =	simm.s32 $0x0;
	s20 =	sshll.u32 s5, $0x1;
	s5 =	sadd.s32 s21, s3  }
0x9d: {  	[timem:s7], [sflag:s22] =	dma.local [hbm:s5], s20  }
0x9e: {  	_ =	swait.ge [sflag:s22], s20  }
0x9f: {  	s4 =	ssub.s32 $0x0, s20;
	[sflag:s22] =	ssyncset.done $0x0  }
0xa0: {  	[sflag:s22] =	ssyncadd.s32 s4;
	_ =	sdelay $0x1  }
0xa1: {  	s23 =	simm.s32 $0x1B8B  }
0xa2: {  	_ =	swait.ge [sflag:s23], $0x1  }
0xa3: {  	[sflag:s23] =	ssyncset.done $0x0  }
0xa4: {  	s25 =	simm.s32 $0x1B8E;
	s24 =	sld [smem:$0x3FFE];
	[sflag:s23] =	ssyncadd.s32 $0xFFFFFFFF  }
0xa5: {  	s26 =	simm.s32 $execute0_lowered;
	[smem:$0x3FD2] =	sst s25  }
0xa6: {  	s5 =	sshll.u32 s26, $0x1;
	_ =	strace $0x80000046;
	[dreg:$0x1] =	wrdreg $0xFFFFFFFF  }
0xa7: {  	s28 =	simm.s32 $_size_execute0_lowered;
	s3 =	sadd.s32 s3, s5;
	[dreg:$0x0] =	wrdreg $0x0  }
0xa8: {  	s5 =	sshll.u32 s28, $0x1;
	[dreg:$0x2] =	wrdreg s3  }
0xa9: {  	[dreg:$0x3] =	wrdreg s5  }
0xaa: {  	[dreg:$0x4] =	wrdreg $0xC0  }
0xab: {  	_ =	task [dreg:s7], $0x5FFFF  }
0xac: {  	[dreg:$0x1] =	wrdreg $0xFFFFFFFF  }
0xad: {  	[dreg:$0x0] =	wrdreg $0x60  }
0xae: {  	[dreg:$0x2] =	wrdreg s24  }
0xaf: {  	[dreg:$0x3] =	wrdreg s2  }
0xb0: {  	[dreg:$0x4] =	wrdreg $0x9  }
0xb1: {  	_ =	task.clear_ibuf [dreg:s7], $0x5FFFF;
	_ =	strace $0x90000046  }
0xb2: {  	s29 =	simm.s32 $0x9;
	_ =	strace $0x80000048  }
0xb3: {  	_ =	swait.ge [sflag:s29], $0x1  }
0xb4: {  	[sflag:s29] =	ssyncadd.s32 $0xFFFFFFFF  }
0xb5: {  	_ =	strace $0x90000048  }
0xb6: {  	_ =	sfence  }
0xb7: {  	s30 =	sld [smem:$0x0];
	_ =	sdelay $0x2  }
0xb8: {  	s31 =	sshll.u32 s1, $0xD;
	s1 =	sshrl.u32 s1, $0x2  }
0xb9: {  	s3 =	sand.u32 $0x4000, s31;
	s1 =	sadd.s32 s1, s30  }
0xba: {  	s0 =	sor.u32 s3, s0;
	s1 =	sshll.u32 s1, $0x11  }
0xbb: {  	s0 =	sor.u32 s1, s0  }
0xbc: {  	s0 =	sadd.s32 $0x8F2B, s0  }
0xbd: {  	[sflag:s0] =	ssyncadd.remote.s32 $0x1  }
0xbe: {  	_ =	sfence.sel $0xFFFF  }
0xbf: {  	[dreg:$0x0] =	wrdreg $0xFFFFFFFF;
	(pc) =	sbr.abs _section_cstart, $3  }
0xc0: {  	[dreg:$0x1] =	wrdreg $0xFFFFFFFF  }
0xc1: {  	_ =	task.clear_ibuf [dreg:s7], $0x2FFFF;
	_ =	strace $0x9FFFFFFF  }
0xc2: {  	(tm) =	ssettm $0x7FFFFFFF  }
0xc3: {  	_ =	shalt  }
tec
execute0_lowered:
.L_overlay_start_1:
0x0: {  	(tag) =	ssettag $0x1  }
0x1: {  	s1 =	rddreg [dreg:$0x0];
	s3 =	srdreg.scid  }
0x2: {  	s0 =	stileid.u32;
	s2 =	rddreg [dreg:$0x1]  }
0x3: {  	s22 =	simm.s32 $0x20;
	s23 =	simm.s32 $0x80;
	s24 =	simm.s32 $0xC  }
0x4: {  	s25 =	simm.s32 $0xA;
	s26 =	simm.s32 $0xB;
	s28 =	simm.s32 $0x0  }
0x5: {  	s11 =	sand.u32 $0x1, s3;
	s4 =	sshll.u32 s0, $0x1;
	s3 =	simm.s32 $0x0  }
0x6: {  	s12 =	sadd.s32 $0x800, s1;
	s13 =	smul.u32 $0x6400, s0;
	s15 =	sshll.u32 s0, $0x8  }
0x7: {  	s4 =	sor.u32 s11, s4;
	[smem:$0x7FF] =	sst s3;
	s5 =	ssub.s32 $0x2, s11  }
0x8: {  	s14 =	smul.u32 $0x3200, s11;
	s16 =	sshll.u32 s11, $0x7;
	s11 =	sadd.s32 $0x4, s2  }
0x9: {  	s6 =	smul.u32 $0x3200, s4;
	_ =	strace $0x80000047;
	s7 =	sshrl.u32 s5, $0x1  }
0xa: {  	s4 =	sadd.s32 $0xFA6C00, s1;
	s13 =	sadd.s32 s13, s12;
	s15 =	sor.u32 s16, s15  }
.Ltmp0:
0xb: {  	s30 =	ssub.s32 s5, s7;
	s31 =	sadd.s32 s14, s13;
	(pc) =	sbr.rel .LBB2_1-.Ltmp0, $4  }
0xc: {  	s17 =	smul.u32 $0x6400, s15;
	s13 =	sadd.s32 $0xC, s2;
	s5 =	sadd.s32 s12, s6  }
0xd: {  	s12 =	sadd.s32 $0x8, s2;
	s14 =	smax.u32 s30, $0x1;
	s15 =	sadd.s32 $0x190, s31  }
0xe: {  	s6 =	sadd.s32 $0x64, s5;
	s7 =	sadd.s32 $0xC8, s5;
	s8 =	sadd.s32 $0x12C, s5  }
0xf: {  	s9 =	sadd.s32 $0x190, s5;
	s10 =	sadd.s32 $0x1F4, s5;
	s16 =	sadd.s32 $0xFFFF3800, s17  }
.LBB2_5:
0x10: {  	_ =	swait.ge [sflag:s24], $0x1900  }
0x11: {  	[sflag:s24] =	ssyncset.done $0x0  }
0x12: {  	[sflag:s24] =	ssyncadd.s32 $0xFFFFE700  }
0x13: {  	_ =	swait.ge [sflag:s24], $0x1900  }
0x14: {  	[sflag:s24] =	ssyncset.done $0x0  }
0x15: {  	[sflag:s24] =	ssyncadd.s32 $0xFFFFE700  }
0x16: {  	_ =	swait.ge [sflag:s24], $0x1900  }
0x17: {  	[sflag:s24] =	ssyncset.done $0x0  }
0x18: {  	[sflag:s24] =	ssyncadd.s32 $0xFFFFE700  }
0x19: {  	_ =	swait.ge [sflag:s24], $0x1900  }
0x1a: {  	[sflag:s24] =	ssyncset.done $0x0  }
0x1b: {  	[sflag:s24] =	ssyncadd.s32 $0xFFFFE700  }
0x1c: {  	_ =	swait.ge [sflag:s25], $0x1900  }
0x1d: {  	[sflag:s25] =	ssyncset.done $0x0  }
0x1e: {  	[sflag:s25] =	ssyncadd.s32 $0xFFFFE700  }
0x1f: {  	_ =	swait.ge [sflag:s25], $0x1900  }
0x20: {  	[sflag:s25] =	ssyncset.done $0x0  }
0x21: {  	[sflag:s25] =	ssyncadd.s32 $0xFFFFE700  }
0x22: {  	_ =	swait.ge [sflag:s25], $0x1900  }
0x23: {  	[sflag:s25] =	ssyncset.done $0x0  }
0x24: {  	[sflag:s25] =	ssyncadd.s32 $0xFFFFE700  }
0x25: {  	_ =	swait.ge [sflag:s25], $0x1900  }
0x26: {  	[sflag:s25] =	ssyncset.done $0x0  }
0x27: {  	[sflag:s25] =	ssyncadd.s32 $0xFFFFE700  }
0x28: {  	_ =	swait.ge [sflag:s26], $0x1900  }
0x29: {  	[sflag:s26] =	ssyncset.done $0x0  }
0x2a: {  	[sflag:s26] =	ssyncadd.s32 $0xFFFFE700  }
0x2b: {  	_ =	swait.ge [sflag:s26], $0x1900  }
0x2c: {  	[sflag:s26] =	ssyncset.done $0x0  }
0x2d: {  	s28 =	sadd.s32 $0x1, s28;
	[sflag:s26] =	ssyncadd.s32 $0xFFFFE700  }
0x2e: {  	p0 =	sne.s32 s28, s14;
	_ =	swait.ge [sflag:s26], $0x1900  }
.Ltmp1:
0x2f: {  	[sflag:s26] =	ssyncset.done $0x0;
	(pc) =	sbr.rel @!p0 .LBB2_6-.Ltmp1, $4  }
0x30: {  	[sflag:s26] =	ssyncadd.s32 $0xFFFFE700  }
0x31: {  	_ =	swait.ge [sflag:s26], $0x1900  }
0x32: {  	[sflag:s26] =	ssyncset.done $0x0  }
0x33: {  	[sflag:s26] =	ssyncadd.s32 $0xFFFFE700  }
.LBB2_1:
0x34: {  	[tilespmem:s3], [sflag:$0x1] =	stream.linear.gather [hbm4b:s5+s3], $0x320, $0x38;
	[tilespmem:$0x13EC0] =	vst v63  }
0x35: {  	s0 =	simm.s32 $0x320  }
0x36: {  	[tilespmem:s0], [sflag:$0x2] =	stream.linear.gather [hbm4b:s6+s3], $0x320, $0x38;
	[tilespmem:$0x13EC0] =	vst v63  }
0x37: {  	s18 =	simm.s32 $0x640  }
0x38: {  	[tilespmem:s18], [sflag:$0x3] =	stream.linear.gather [hbm4b:s7+s3], $0x320, $0x38;
	[tilespmem:$0x13EC0] =	vst v63  }
0x39: {  	s19 =	simm.s32 $0x960  }
0x3a: {  	[tilespmem:s19], [sflag:$0x4] =	stream.linear.gather [hbm4b:s8+s3], $0x320, $0x38;
	[tilespmem:$0x13EC0] =	vst v63  }
.Ltmp2:
0x3b: {  	_ = 	snop;
	(pc) =	sbr.rel .LBB2_2-.Ltmp2, $4  }
0x3c: {  	s20 =	simm.s32 $0xC80;
	s21 =	simm.s32 $0xFA0  }
0x3d: {  	[tilespmem:s20], [sflag:$0x5] =	stream.linear.gather [hbm4b:s9+s3], $0x320, $0x38;
	[tilespmem:$0x13EC0] =	vst v63  }
0x3e: {  	s29 =	simm.s32 $0xFFFFFFFE;
	s30 =	smov.u32 s16;
	s31 =	smov.u32 s15  }
0x3f: {  	[tilespmem:s21], [sflag:$0x6] =	stream.linear.gather [hbm4b:s10+s3], $0x320, $0x38;
	[tilespmem:$0x13EC0] =	vst v63  }
.LBB2_4:
0x40: {  	s29 =	sadd.s32 $0x1, s29  }
0x41: {  	p0 =	sne.s32 s29, $0x80  }
.Ltmp3:
0x42: {  	_ = 	snop;
	(pc) =	sbr.rel @!p0 .LBB2_5-.Ltmp3, $2  }
0x43: {  	_ =	sdelay $0x2  }
0x44: {  	s31 =	sadd.s32 $0x64, s31;
	s30 =	sadd.s32 $0x6400, s30  }
.LBB2_2:
0x45: {  	s1 =	sadd.s32 $0x2, s29  }
0x46: {  	p0 =	sgt.u32 s1, $0x7F  }
0x47: {  	s0 =	smul.u32 @!p0 $0xAB, s1  }
0x48: {  	p1 =	slt.u32 @!p0 s1, $0x3  }
0x49: {  	p1 =	por p1, p0;
	s17 =	sshrl.u32 @!p0 s0, $0xA  }
0x4a: {  	s18 =	sadd.s32 @!p1 $0xFFFFFFFD, s1;
	s17 =	sand.u32 @!p0 $0x3F, s17  }
0x4b: {  	s19 =	sand.u32 @!p1 $0xFF, s18;
	s17 =	smul.u32 @!p0 $0x6, s17  }
0x4c: {  	s19 =	smul.u32 @!p1 $0xAB, s19;
	_ =	sdelay $0x1  }
0x4d: {  	s17 =	ssub.s32 @!p0 s1, s17;
	s19 =	sshrl.u32 @!p1 s19, $0x9  }
0x4e: {  	s17 =	sand.u32 @!p0 $0xFF, s17;
	s19 =	smul.u32 @!p1 $0x3, s19  }
0x4f: {  	s20 =	sadd.s32 @!p0 $0x1, s17  }
0x50: {  	_ =	swait.ge @!p0 [sflag:s20], $0x320;
	s18 =	ssub.s32 @!p1 s18, s19  }
0x51: {  	[sflag:s20] =	ssyncset.done @!p0 $0x0;
	s18 =	sand.u32 @!p1 $0xFF, s18  }
0x52: {  	[sflag:s20] =	ssyncadd.s32 @!p0 $0xFFFFFCE0;
	s18 =	sadd.s32 @!p1 $0xA, s18  }
0x53: {  	_ =	swait.ge @!p1 [sflag:s18], $0x1900  }
0x54: {  	[sflag:s18] =	ssyncset.done @!p1 $0x0  }
0x55: {  	s0 =	sshrl.u32 @!p0 s0, $0x9;
	[sflag:s18] =	ssyncadd.s32 @!p1 $0xFFFFE700  }
0x56: {  	s0 =	sand.u32 @!p0 $0x7F, s0;
	_ =	swait.ge @!p1 [sflag:s18], $0x1900  }
0x57: {  	s0 =	smul.u32 @!p0 $0x3, s0;
	[sflag:s18] =	ssyncset.done @!p1 $0x0  }
0x58: {  	[sflag:s18] =	ssyncadd.s32 @!p1 $0xFFFFE700  }
0x59: {  	s0 =	ssub.s32 @!p0 s1, s0;
	_ =	swait.ge @!p1 [sflag:s18], $0x1900  }
0x5a: {  	s0 =	sand.u32 @!p0 $0xFF, s0;
	s17 =	smul.u32 @!p0 $0xC80, s17;
	[sflag:s18] =	ssyncset.done @!p1 $0x0  }
0x5b: {  	s19 =	smul.u32 @!p0 $0x19000, s0;
	[sflag:s18] =	ssyncadd.s32 @!p1 $0xFFFFE700  }
0x5c: {  	s0 =	sadd.s32 @!p0 $0x7, s0;
	_ =	swait.ge @!p1 [sflag:s18], $0x1900  }
0x5d: {  	s17 =	sshrl.u32 @!p0 s17, $0x2;
	s19 =	sshrl.u32 @!p0 s19, $0x2;
	[sflag:s18] =	ssyncset.done @!p1 $0x0  }
0x5e: {  	s20 =	simm.s32 @!p0 $0xC8;
	[sflag:s18] =	ssyncadd.s32 @!p1 $0xFFFFE700;
	s18 =	sadd.s32 @!p0 $0x12C0, s19  }
0x5f: {  	[tilespmem:s18], [sflag:s0] =	stream.indirect.gather @!p0 [hbm4b:s4+s20], $0x20, s17, s20, $0xb8;
	[tilespmem:$0x13EC0] =	vst v63  }
0x60: {  	s21 =	sadd.s32 @!p0 $0xC8, s17;
	s18 =	sadd.s32 @!p0 $0x2BC0, s19  }
0x61: {  	[tilespmem:s18], [sflag:s0] =	stream.indirect.gather @!p0 [hbm4b:s4+s20], $0x20, s21, s20, $0xb8;
	[tilespmem:$0x13EC0] =	vst v63  }
0x62: {  	s18 =	sadd.s32 @!p0 $0x44C0, s19;
	s21 =	sadd.s32 @!p0 $0x190, s17  }
0x63: {  	[tilespmem:s18], [sflag:s0] =	stream.indirect.gather @!p0 [hbm4b:s4+s20], $0x20, s21, s20, $0xb8;
	[tilespmem:$0x13EC0] =	vst v63  }
0x64: {  	p1 =	slt.u32 @!p0 s1, $0x2;
	s17 =	sadd.s32 @!p0 $0x258, s17;
	s18 =	sadd.s32 @!p0 $0x5DC0, s19  }
0x65: {  	[tilespmem:s18], [sflag:s0] =	stream.indirect.gather @!p0 [hbm4b:s4+s20], $0x20, s17, s20, $0xb8;
	[tilespmem:$0x13EC0] =	vst v63  }
0x66: {  	p0 =	por p0, !p1  }
.Ltmp4:
0x67: {  	_ = 	snop;
	(pc) =	sbr.rel @!p0 .LBB2_4-.Ltmp4, $1  }
0x68: {  	_ =	sdelay $0x3  }
0x69: {  	s0 =	sand.u32 $0xFF, s29  }
0x6a: {  	s0 =	smul.u32 $0xAB, s0;
	_ =	sdelay $0x1  }
0x6b: {  	s0 =	sshrl.u32 s0, $0x9  }
0x6c: {  	s0 =	smul.u32 $0x3, s0;
	_ =	sdelay $0x1  }
0x6d: {  	s0 =	ssub.s32 s29, s0  }
0x6e: {  	s0 =	sand.u32 $0xFF, s0  }
0x6f: {  	s17 =	sadd.s32 $0x7, s0  }
0x70: {  	_ =	swait.ge [sflag:s17], $0x1900  }
0x71: {  	[sflag:s17] =	ssyncset.done $0x0  }
0x72: {  	[sflag:s17] =	ssyncadd.s32 $0xFFFFE700  }
0x73: {  	_ =	swait.ge [sflag:s17], $0x1900  }
0x74: {  	[sflag:s17] =	ssyncset.done $0x0  }
0x75: {  	[sflag:s17] =	ssyncadd.s32 $0xFFFFE700  }
0x76: {  	_ =	swait.ge [sflag:s17], $0x1900  }
0x77: {  	[sflag:s17] =	ssyncset.done $0x0  }
0x78: {  	s20 =	sshrl.u32 s30, $0x3;
	s18 =	smul.u32 $0x19000, s0;
	[sflag:s17] =	ssyncadd.s32 $0xFFFFE700  }
0x79: {  	p0 =	sgt.u32 s1, $0x7B;
	s21 =	sadd.s32 s2, s20;
	_ =	swait.ge [sflag:s17], $0x1900  }
0x7a: {  	s1 =	sadd.s32 @!p0 $0x6, s29;
	s18 =	sshrl.u32 s18, $0x2;
	[sflag:s17] =	ssyncset.done $0x0  }
0x7b: {  	s0 =	sadd.s32 $0xA, s0;
	s19 =	sadd.s32 $0x12C0, s18;
	[sflag:s17] =	ssyncadd.s32 $0xFFFFE700  }
0x7c: {  	[hbm4b:s21+s22] =	stream.strided.scatter [tilespmem:s19], [sflag:s0], $0x1900, s23, s22, $0x38;
	[tilespmem:$0x13EC0] =	vst v63  }
0x7d: {  	s17 =	sadd.s32 $0x2BC0, s18;
	s19 =	sadd.s32 s20, s11;
	s21 =	smul.u32 @!p0 $0xAB, s1  }
0x7e: {  	[hbm4b:s19+s22] =	stream.strided.scatter [tilespmem:s17], [sflag:s0], $0x1900, s23, s22, $0x38;
	[tilespmem:$0x13EC0] =	vst v63  }
0x7f: {  	s17 =	sshrl.u32 @!p0 s21, $0xA  }
0x80: {  	s17 =	sand.u32 @!p0 $0x3F, s17  }
0x81: {  	s19 =	sadd.s32 $0x44C0, s18;
	s21 =	sadd.s32 s20, s12;
	s17 =	smul.u32 @!p0 $0x6, s17  }
0x82: {  	[hbm4b:s21+s22] =	stream.strided.scatter [tilespmem:s19], [sflag:s0], $0x1900, s23, s22, $0x38;
	[tilespmem:$0x13EC0] =	vst v63  }
0x83: {  	s1 =	ssub.s32 @!p0 s1, s17  }
.Ltmp5:
0x84: {  	s1 =	sand.u32 @!p0 $0xFF, s1;
	(pc) =	sbr.rel .LBB2_4-.Ltmp5, $4  }
0x85: {  	s18 =	sadd.s32 $0x5DC0, s18;
	s21 =	sadd.s32 s20, s13;
	s19 =	smul.u32 @!p0 $0xC80, s1  }
0x86: {  	[hbm4b:s21+s22] =	stream.strided.scatter [tilespmem:s18], [sflag:s0], $0x1900, s23, s22, $0x38;
	[tilespmem:$0x13EC0] =	vst v63  }
0x87: {  	s17 =	simm.s32 @!p0 $0x0;
	s1 =	sadd.s32 @!p0 $0x1, s1;
	s0 =	sshrl.u32 @!p0 s19, $0x2  }
0x88: {  	[tilespmem:s0], [sflag:s1] =	stream.linear.gather @!p0 [hbm4b:s31+s17], $0x320, $0x38;
	[tilespmem:$0x13EC0] =	vst v63  }
.LBB2_6:
0x89: {  	_ =	sfence.sel $0x180000  }
0x8a: {  	[bflag:$0x0] =	sbarrier.arrive $0xFFFF  }
0x8b: {  	_ =	strace $0x90000047  }
0x8c: {  	s0 =	stileid.u32;
	[bflag:$0x2] =	sbarrier.arrive $0xFFFF  }
0x8d: {  	p0 =	sne.s32 s0, $0x0;
	s0 =	rddreg [dreg:$0x2]  }
0x8e: {  	s0 =	sadd.s32 @!p0 $0x100000, s0  }
0x8f: {  	[sflag:s0] =	ssyncadd.tile.s32 @!p0 $0x1;
	_ =	shalt  }
.Lfunc_end2:
_tile_overlayer_lowered:
.L_overlay_start_2:
0x90: {  	(tag) =	ssettag $0x2  }
0x91: {  	s0 =	rddreg [dreg:$0x0];
	s2 =	stileid.u32  }
0x92: {  	s1 =	rddreg [dreg:$0x1];
	p0 =	sne.s32 s2, $0x0  }
0x93: {  	s3 =	rddreg [dreg:$0x2];
	[bflag:$0x3] =	sbarrier.arrive $0xFFFF;
	s2 =	simm.s32 @!p0 $0x1C0D  }
0x94: {  	[timem:s3], [sflag:s2] =	dma.local @!p0 [hbm:s0], s1  }
0x95: {  	s0 =	simm.s32 @!p0 $0xD  }
0x96: {  	_ =	swait.ge @!p0 [sflag:s0], s1  }
0x97: {  	s1 =	ssub.s32 @!p0 $0x0, s1;
	[sflag:s0] =	ssyncset.done @!p0 $0x0  }
0x98: {  	[sflag:s0] =	ssyncadd.s32 @!p0 s1  }
0x99: {  	[bflag:$0x3] =	sbarrier.arrive $0xFFFF  }
0x9a: {  	_ =	shalt  }

// kernel: sparse-core-data-format-call.cloned.1.call-start
scs
called_computation_lowered:
.L_overlay_start_0:
0x0: {  	s2 =	sld [smem:$0x3FD9]  }
0x1: {  	s3 =	sld [smem:$0x3FFE];
	_ =	sdelay $0x1  }
0x2: {  	s1 =	srdreg.scid  }
0x3: {  	s0 =	sand.u32 $0x1, s1  }
0x4: {  	s18 =	sshll.u32 s0, $0xA;
	s2 =	sadd.s32 s3, s2  }
0x5: {  	s2 =	sadd.s32 s2, s18  }
0x6: {  	[smem:$0x3FC6] =	sst s2  }
0x7: {  	_ = 	snop  }
0x8: {  	s2 =	sld [smem:$0x3FD0];
	(tm) =	ssettm $0x1  }
0x9: {  	s19 =	sld [smem:$0x3FFB];
	_ =	sdelay $0x3  }
0xa: {  	_ =	strace s19  }
0xb: {  	s3 =	sld [smem:$0x3FFC];
	_ =	sdelay $0x3  }
0xc: {  	_ =	strace s3  }
0xd: {  	s3 =	sld [smem:$0x3FFD];
	_ =	sdelay $0x3  }
0xe: {  	_ =	strace s3  }
0xf: {  	_ =	strace $0x8FFFFFFF  }
0x10: {  	s20 =	sld [smem:$0x3FDB];
	_ =	sdelay $0x1  }
0x11: {  	s4 =	simm.s32 $_scs_section_size  }
0x12: {  	s5 =	simm.s32 $_size__tile_overlayer_lowered;
	s6 =	simm.s32 $_tile_overlayer_lowered  }
0x13: {  	s23 =	simm.s32 $0x1BFF;
	s22 =	sshll.u32 s6, $0x1;
	s3 =	sadd.s32 s4, s20  }
0x14: {  	s7 =	simm.s32 $0x0;
	s21 =	sshll.u32 s5, $0x1;
	s5 =	sadd.s32 s22, s3  }
0x15: {  	[timem:s7], [sflag:s23] =	dma.local [hbm:s5], s21  }
0x16: {  	_ =	swait.ge [sflag:s23], s21  }
0x17: {  	s4 =	ssub.s32 $0x0, s21;
	[sflag:s23] =	ssyncset.done $0x0  }
0x18: {  	[sflag:s23] =	ssyncadd.s32 s4;
	_ =	sdelay $0x1  }
0x19: {  	s24 =	simm.s32 $0x1B8B  }
0x1a: {  	_ =	swait.ge [sflag:s24], $0x1  }
0x1b: {  	[sflag:s24] =	ssyncset.done $0x0  }
0x1c: {  	s26 =	simm.s32 $0x1B8E;
	s25 =	sld [smem:$0x3FFE];
	[sflag:s24] =	ssyncadd.s32 $0xFFFFFFFF  }
0x1d: {  	s27 =	simm.s32 $execute0_lowered;
	[smem:$0x3FD2] =	sst s26  }
0x1e: {  	s5 =	sshll.u32 s27, $0x1;
	_ =	strace $0x80000049;
	[dreg:$0x1] =	wrdreg $0xFFFFFFFF  }
0x1f: {  	s28 =	simm.s32 $_size_execute0_lowered;
	s3 =	sadd.s32 s3, s5;
	[dreg:$0x0] =	wrdreg $0x0  }
0x20: {  	s5 =	sshll.u32 s28, $0x1;
	[dreg:$0x2] =	wrdreg s3  }
0x21: {  	[dreg:$0x3] =	wrdreg s5  }
0x22: {  	[dreg:$0x4] =	wrdreg $0xC0  }
0x23: {  	_ =	task [dreg:s7], $0x5FFFF  }
0x24: {  	[dreg:$0x1] =	wrdreg $0xFFFFFFFF  }
0x25: {  	[dreg:$0x0] =	wrdreg $0x60  }
0x26: {  	[dreg:$0x2] =	wrdreg s25  }
0x27: {  	[dreg:$0x3] =	wrdreg s2  }
0x28: {  	[dreg:$0x4] =	wrdreg $0x9  }
0x29: {  	_ =	task.clear_ibuf [dreg:s7], $0x5FFFF;
	_ =	strace $0x90000049  }
0x2a: {  	s29 =	simm.s32 $0x9;
	_ =	strace $0x8000004B  }
0x2b: {  	_ =	swait.ge [sflag:s29], $0x1  }
0x2c: {  	[sflag:s29] =	ssyncadd.s32 $0xFFFFFFFF  }
0x2d: {  	_ =	strace $0x9000004B  }
0x2e: {  	_ =	sfence  }
0x2f: {  	s30 =	sld [smem:$0x0];
	_ =	sdelay $0x2  }
0x30: {  	s31 =	sshll.u32 s1, $0xD;
	s1 =	sshrl.u32 s1, $0x2  }
0x31: {  	s3 =	sand.u32 $0x4000, s31;
	s1 =	sadd.s32 s1, s30  }
0x32: {  	s0 =	sor.u32 s3, s0;
	s1 =	sshll.u32 s1, $0x11  }
0x33: {  	s0 =	sor.u32 s1, s0  }
0x34: {  	s0 =	sadd.s32 $0x8F2B, s0  }
0x35: {  	[sflag:s0] =	ssyncadd.remote.s32 $0x1  }
0x36: {  	_ =	sfence.sel $0xFFFF  }
0x37: {  	[dreg:$0x0] =	wrdreg $0xFFFFFFFF;
	(pc) =	sbr.abs _section_cstart, $3  }
0x38: {  	[dreg:$0x1] =	wrdreg $0xFFFFFFFF  }
0x39: {  	_ =	task.clear_ibuf [dreg:s7], $0x2FFFF;
	_ =	strace $0x9FFFFFFF  }
0x3a: {  	(tm) =	ssettm $0x7FFFFFFF  }
0x3b: {  	_ =	shalt  }
tec
execute0_lowered:
.L_overlay_start_1:
0x0: {  	(tag) =	ssettag $0x1  }
0x1: {  	s0 =	srdreg.scid  }
0x2: {  	s1 =	sshll.u32 s0, $0x4  }
0x3: {  	s0 =	stileid.u32;
	s1 =	sand.u32 $0x10, s1  }
0x4: {  	s1 =	sor.u32 s0, s1  }
0x5: {  	s6 =	rddreg [dreg:$0x0];
	s4 =	simm.s32 $0x1;
	s2 =	sshll.u32 s1, $0x7  }
0x6: {  	s7 =	simm.s32 $0x2;
	s12 =	simm.s32 $0x0;
	s1 =	ssub.s32 $0x4000, s2  }
0x7: {  	s8 =	simm.s32 $0x20000;
	s13 =	simm.s32 $0x0;
	s3 =	sand.u32 $0xF80, s1  }
0x8: {  	s9 =	simm.s32 $0x0;
	s5 =	sshrl.u32 s1, $0xC;
	p0 =	sne.s32 s3, $0x0  }
.Ltmp0:
0x9: {  	s1 =	rddreg [dreg:$0x2];
	s4 =	simm.s32 @!p0 $0x0;
	(pc) =	sbr.rel .LBB1_1-.Ltmp0, $4  }
0xa: {  	s11 =	simm.s32 $0x0;
	s3 =	rddreg [dreg:$0x1];
	s5 =	sadd.s32 s4, s5  }
0xb: {  	_ =	strace $0x8000004A;
	s4 =	simm.s32 $0x1;
	s5 =	smul.u32 $0xC8, s5  }
0xc: {  	s6 =	sadd.s32 $0x800, s6;
	s10 =	smov.u32 s2;
	[sflag:s4] =	ssyncpa.u1 $0x0  }
0xd: {  	p0 =	por $0x0, $0x0;
	[sflag:s7] =	ssyncpa.u1 $0x0;
	s7 =	sor.u32 $0x1, s5  }
.LBB1_4:
0xe: {  	s16 =	sshll.u32 s13, $0x3;
	s17 =	sand.u32 $0x78, s13  }
0xf: {  	s30 =	sand.u32 $0xF800, s13;
	s12 =	sshll.u32 s12, $0x10;
	s16 =	sand.u32 $0x3C00, s16  }
0x10: {  	s31 =	sand.u32 $0x7, s13;
	s16 =	sor.u32 s17, s16;
	s17 =	sadd.s32 s3, s30  }
0x11: {  	s13 =	sshll.u32 s31, $0x12;
	s16 =	sshrl.u32 s16, $0x3;
	s12 =	sadd.s32 s12, s17  }
0x12: {  	[tilespmem:s15+$0x0 ss:$0x81] =	vst.msk $0xffff, v0;
	s13 =	sor.u32 $0x400, s13;
	s12 =	sadd.s32 s16, s12  }
0x13: {  	[hbm4b:s12+s13] =	stream.strided.scatter [tilespmem:s14], [sflag:$0x2], $0x1000, s8, s13, $0x20;
	[tilespmem:$0x4040] =	vst v63  }
.LBB1_5:
0x14: {  	s14 =	sadd.s32 $0x1, s9  }
0x15: {  	s12 =	sadd.s32 $0x1000, s10;
	s16 =	smov.u32 s10;
	p2 =	sgt.s32 s14, $0xC7  }
0x16: {  	s16 =	smov.u32 @p2 s12  }
0x17: {  	s14 =	simm.s32 @p2 $0x0;
	p2 =	sgt.s32 s16, $0x3FFF  }
0x18: {  	s16 =	smov.u32 @p2 s2;
	p2 =	sne.s32 s11, s7  }
.Ltmp1:
0x19: {  	p1 =	slt.u32 s11, $0x2;
	(pc) =	sbr.rel @!p2 .LBB1_6-.Ltmp1, $4  }
0x1a: {  	s15 =	simm.s32 @!p1 $0x2  }
0x1b: {  	s13 =	smov.u32 s10;
	p0 =	por !p0, !p0;
	_ =	swait.ge @!p1 [sflag:s15], $0x1000  }
0x1c: {  	s12 =	smov.u32 s9;
	[sflag:s15] =	ssyncset.done @!p1 $0x0;
	s9 =	smov.u32 s14  }
0x1d: {  	s11 =	sadd.s32 $0x1, s11;
	[sflag:s15] =	ssyncadd.s32 @!p1 $0xFFFFF000;
	s10 =	smov.u32 s16  }
.LBB1_1:
0x1e: {  	p1 =	sge.u32 s11, s5  }
0x1f: {  	s14 =	sand.u32 @!p1 $0x1FFFFFF, s9  }
0x20: {  	s15 =	smulhi.u32 @!p1 $0x147AE15, s14;
	_ =	sdelay $0x1  }
0x21: {  	s15 =	smul.u32 @!p1 $0xC8, s15  }
0x22: {  	s16 =	sxor.u32 @!p1 $0xFFFFFFFF, s11;
	s17 =	smul.u32 @!p1 $0xC80, s10  }
0x23: {  	s31 =	sadd.s32 $0xFFFFFFFF, s11;
	s16 =	sshll.u32 @!p1 s16, $0xC;
	s14 =	ssub.s32 @!p1 s14, s15  }
0x24: {  	s15 =	sand.u32 @!p1 $0x1000, s16;
	s16 =	sadd.s32 @!p1 s6, s17;
	s14 =	sshll.u32 @!p1 s14, $0x4  }
0x25: {  	s17 =	simm.s32 @!p1 $0x6400;
	s14 =	sadd.s32 @!p1 s14, s16;
	s16 =	simm.s32 @!p1 $0x20  }
0x26: {  	[tilespmem:s15], [sflag:$0x1] =	stream.strided.gather @!p1 [hbm4b:s14+s16], $0x1000, s17, s16, $0x38;
	[tilespmem:$0x4040] =	vst v63  }
0x27: {  	p1 =	sge.u32 s31, s5  }
.Ltmp2:
0x28: {  	_ = 	snop;
	(pc) =	sbr.rel @p1 .LBB1_5-.Ltmp2, $1  }
0x29: {  	_ =	sdelay $0x3  }
0x2a: {  	s14 =	simm.s32 $0x1  }
0x2b: {  	_ =	swait.ge [sflag:s4], $0x1000;
	s14 =	simm.s32 @!p0 $0x0  }
0x2c: {  	[sflag:s4] =	ssyncset.done $0x0;
	s15 =	sshll.u32 s14, $0xC  }
0x2d: {  	[sflag:s4] =	ssyncadd.s32 $0xFFFFF000;
	s18 =	sor.u32 $0x10, s15  }
0x2e: {  	s14 =	smul.u32 $0x4080, s14;
	v1 =	vld [tilespmem:s18+$0x0]  }
0x2f: {  	s30 =	sand.u32 $0x1, s11;
	v0 =	vld [tilespmem:s18+$0xFFFFFFF0]  }
0x30: {  	s15 =	smul.u32 $0x4080, s30;
	s14 =	sshrl.u32 s14, $0x2  }
0x31: {  	s16 =	sor.u32 $0x2000, s14  }
0x32: {  	s31 =	sshrl.u32 s15, $0x2;
	s15 =	sadd.s32 $0x0, s16  }
0x33: {  	s17 =	simm.s32 $0x4;
	s18 =	sadd.s32 $0x20, s18;
	s14 =	sor.u32 $0x2000, s31;
	[tilespmem:s15+$0x810 ss:$0x81] =	vst.msk $0xffff, v1  }
.LBB1_3:
0x34: {  	v1 =	vld [tilespmem:s18+$0x0];
	p1 =	sne.s32 s17, $0x1FC;
	[tilespmem:s15+$0x0 ss:$0x81] =	vst.msk $0xffff, v0;
	s15 =	smov.u32 s17;
	s17 =	sadd.s32 $0x4, s17  }
.Ltmp3:
0x35: {  	v0 =	vld [tilespmem:s18+$0xFFFFFFF0];
	(pc) =	sbr.rel @p1 .LBB1_3-.Ltmp3, $4  }
0x36: {  	_ = 	snop  }
0x37: {  	s15 =	sshra.s32 s15, $0x2  }
0x38: {  	s15 =	sadd.s32 s15, s16  }
0x39: {  	s18 =	sadd.s32 $0x20, s18;
	[tilespmem:s15+$0x810 ss:$0x81] =	vst.msk $0xffff, v1  }
.Ltmp4:
0x3a: {  	_ = 	snop;
	(pc) =	sbr.rel .LBB1_4-.Ltmp4, $1  }
0x3b: {  	_ =	sdelay $0x3  }
.LBB1_6:
0x3c: {  	_ =	sfence.sel $0x180000  }
0x3d: {  	s2 =	simm.s32 $0x1;
	[bflag:$0x0] =	sbarrier.arrive $0xFFFF  }
0x3e: {  	s31 =	simm.s32 $0x2;
	[sflag:s2] =	ssyncpa.u1 $0x1  }
0x3f: {  	[sflag:s31] =	ssyncpa.u1 $0x1  }
0x40: {  	p0 =	sne.s32 s0, $0x0;
	_ =	strace $0x9000004A  }
0x41: {  	s0 =	sadd.s32 @!p0 $0x100000, s1;
	[bflag:$0x2] =	sbarrier.arrive $0xFFFF  }
0x42: {  	[sflag:s0] =	ssyncadd.tile.s32 @!p0 $0x1;
	_ =	shalt  }
.Lfunc_end1:
_tile_overlayer_lowered:
.L_overlay_start_2:
0x43: {  	(tag) =	ssettag $0x2  }
0x44: {  	s0 =	rddreg [dreg:$0x0];
	s2 =	stileid.u32  }
0x45: {  	s1 =	rddreg [dreg:$0x1];
	p0 =	sne.s32 s2, $0x0  }
0x46: {  	s3 =	rddreg [dreg:$0x2];
	[bflag:$0x3] =	sbarrier.arrive $0xFFFF;
	s2 =	simm.s32 @!p0 $0x1C01  }
0x47: {  	[timem:s3], [sflag:s2] =	dma.local @!p0 [hbm:s0], s1  }
0x48: {  	s0 =	simm.s32 @!p0 $0x1  }
0x49: {  	_ =	swait.ge @!p0 [sflag:s0], s1  }
0x4a: {  	s1 =	ssub.s32 @!p0 $0x0, s1;
	[sflag:s0] =	ssyncset.done @!p0 $0x0  }
0x4b: {  	[sflag:s0] =	ssyncadd.s32 @!p0 s1  }
0x4c: {  	[bflag:$0x3] =	sbarrier.arrive $0xFFFF  }
0x4d: {  	_ =	shalt  }

</sc_bundles>
